<compile_context>
chip_gen: v7x
topology: tpu7x:2x2x1
jax: 0.10.2.dev20260603
libtpu: 0.0.44.dev20260713+nightly
codegen_flags: <defaults>
</compile_context>

<pallas_src>
import functools

import jax
import jax.numpy as jnp
from jax import lax
from jax.experimental import pallas as pl
from jax.experimental.pallas import tpu as pltpu
from jax.experimental.pallas import tpu_sc as plsc

L = 16


def _build_sc_call(batch, fields, cols_per_w):
    mesh = plsc.VectorSubcoreMesh(core_axis_name="c", subcore_axis_name="s")
    ngrp = cols_per_w // L

    @functools.partial(
        pl.kernel,
        mesh=mesh,
        out_type=jax.ShapeDtypeStruct((batch,), jnp.float32),
        compiler_params=pltpu.CompilerParams(needs_layout_passes=False),
        scratch_types=[
            pltpu.VMEM((fields, cols_per_w), jnp.int32),
            pltpu.VMEM((fields,), jnp.float32),
            pltpu.VMEM((fields,), jnp.float32),
            pltpu.VMEM((L,), jnp.float32),
            pltpu.VMEM((cols_per_w,), jnp.float32),
        ],
    )
    def sc_call(xt_hbm, e_hbm, d_hbm, s_hbm, out_hbm, xt_v, e_v, d_v, s_v, out_v):
        wid = lax.axis_index("s") * 2 + lax.axis_index("c")
        base = wid * cols_per_w
        pltpu.sync_copy(e_hbm, e_v)
        pltpu.sync_copy(d_hbm, d_v)
        pltpu.sync_copy(s_hbm, s_v)
        pltpu.sync_copy(xt_hbm.at[:, pl.ds(base, 128)], xt_v.at[:, pl.ds(0, 128)])

        init = s_v[pl.ds(0, L)]

        def field_body(f, accs):
            fidx = jnp.full((L,), f, jnp.int32)
            evec = plsc.load_gather(e_v, [fidx])
            dvec = plsc.load_gather(d_v, [fidx])
            out = []
            for j in range(ngrp):
                u = xt_v[f, pl.ds(j * L, L)].astype(jnp.float32)
                out.append(accs[j] + u * (evec + u * dvec))
            return tuple(out)

        accs = lax.fori_loop(0, 1, field_body, (init,) * ngrp)
        for j in range(ngrp):
            out_v[pl.ds(j * L, L)] = accs[j]
        pltpu.sync_copy(out_v, out_hbm.at[pl.ds(base, cols_per_w)])

    return sc_call


def kernel(x, table, W, b):
    batch, fields = x.shape
    cols_per_w = batch // 32

    w = W.reshape(-1).astype(jnp.float32)
    t0, t1, t2 = table[0], table[1], table[2]
    d = w * ((t2 - (t1 + t1)) + t0) * 0.5
    e = w * (t1 - t0) - d
    s = jnp.full((16,), jnp.sum(w) * t0 + b[0], jnp.float32)

    sc_call = _build_sc_call(batch, fields, cols_per_w)
    return sc_call(x.T, e, d, s).reshape(batch, 1)

# --- scband reference (transcript-rebuilt; emitter-appended) ---
"""Pipeline reference for scband-my-model-87522843559372 (READ-ONLY COPY).

The authoritative reference and input builder live on the scoring server;
editing this copy changes nothing except your own understanding.
"""

import jax, jax.numpy as jnp
import numpy as np

BATCH = 16384
FIELDS = 100

def setup_inputs(seed: int = 0) -> dict:
    key = jax.random.key(seed)
    k1, k2 = jax.random.split(key, 2)
    # x encodes the original string keys as integer ids: 0->'a', 1->'b', 2->unknown (default)
    x = jax.random.randint(k1, (BATCH, FIELDS), 0, 3)
    # StaticHashTable values: 'a'->0.5, 'b'->0.7, default_value=0.0 (non-trainable constant)
    table = jnp.array([0.5, 0.7, 0.0], dtype=jnp.float32)
    # Dense(1) params over the FIELDS-dim feature axis
    W = jax.random.normal(k2, (FIELDS, 1), dtype=jnp.float32) * 0.05
    b = jnp.zeros((1,), dtype=jnp.float32)
    return {"x": x, "table": table, "W": W, "b": b}

def reference(x, table, W, b):
    # tf.lookup.StaticHashTable.lookup -> gather from the 3-entry value table
    looked = jnp.take(table, x, axis=0)  # [BATCH, FIELDS] float32
    # tf.keras.layers.Dense(1)
    out = looked @ W + b  # [BATCH, 1]
    return out

if __name__ == "__main__":
    import jax
    _d = setup_inputs()
    print(jax.jit(kernel)(*tuple(_d.values())))

</pallas_src>

<mosaic_0001>
#map = affine_map<(d0, d1) -> (0, 0)>
#map1 = affine_map<(d0, d1) -> (0)>
module attributes {stable_mosaic.version = 14 : i64} {
  func.func @sc_call(%arg0: i32, %arg1: i32, %arg2: memref<100x16384xi32, #tpu.memory_space<hbm>>, %arg3: memref<100xf32, #tpu.memory_space<hbm>>, %arg4: memref<100xf32, #tpu.memory_space<hbm>>, %arg5: memref<16xf32, #tpu.memory_space<hbm>>, %arg6: memref<16384xf32, #tpu.memory_space<hbm>>, %arg7: memref<100x512xi32, #tpu.memory_space<vmem>>, %arg8: memref<100xf32, #tpu.memory_space<vmem>>, %arg9: memref<100xf32, #tpu.memory_space<vmem>>, %arg10: memref<16xf32, #tpu.memory_space<vmem>>, %arg11: memref<512xf32, #tpu.memory_space<vmem>>) attributes {dimension_semantics = [#tpu.dimension_semantics<core_parallel>, #tpu.dimension_semantics<subcore_parallel>], iteration_bounds = array<i64: 2, 16>, scalar_prefetch = 0 : i64, scratch_operands = 5 : i64, tpu.core_type = #tpu.core_type<sc_vector_subcore>, window_params = [{transform_indices = #map}, {transform_indices = #map1}, {transform_indices = #map1}, {transform_indices = #map1}, {transform_indices = #map1}]} {
    %mul3A = arith.constant 2 : i32
    %mul3A_0 = arith.muli %arg1, %mul3A : i32
    %add3A = arith.addi %mul3A_0, %arg0 : i32
    %mul3A_1 = arith.constant 512 : i32
    %mul3A_2 = arith.muli %add3A, %mul3A_1 : i32
    "tpu.region"() ({
      %run_scoped3A = tpu.sem_alloc : memref<!tpu.dma_semaphore, #tpu.memory_space<semaphore_mem>>
      tpu.enqueue_dma source(%arg3 : memref<100xf32, #tpu.memory_space<hbm>>) target(%arg8 : memref<100xf32, #tpu.memory_space<vmem>>) target_semaphore(%run_scoped3A : memref<!tpu.dma_semaphore, #tpu.memory_space<semaphore_mem>>)
      tpu.wait_dma2 semaphore(%run_scoped3A : memref<!tpu.dma_semaphore, #tpu.memory_space<semaphore_mem>>) src(%arg3 : memref<100xf32, #tpu.memory_space<hbm>>) dst(%arg8 : memref<100xf32, #tpu.memory_space<vmem>>)
      tpu.yield
    }) : () -> ()
    "tpu.region"() ({
      %run_scoped3A = tpu.sem_alloc : memref<!tpu.dma_semaphore, #tpu.memory_space<semaphore_mem>>
      tpu.enqueue_dma source(%arg4 : memref<100xf32, #tpu.memory_space<hbm>>) target(%arg9 : memref<100xf32, #tpu.memory_space<vmem>>) target_semaphore(%run_scoped3A : memref<!tpu.dma_semaphore, #tpu.memory_space<semaphore_mem>>)
      tpu.wait_dma2 semaphore(%run_scoped3A : memref<!tpu.dma_semaphore, #tpu.memory_space<semaphore_mem>>) src(%arg4 : memref<100xf32, #tpu.memory_space<hbm>>) dst(%arg9 : memref<100xf32, #tpu.memory_space<vmem>>)
      tpu.yield
    }) : () -> ()
    "tpu.region"() ({
      %run_scoped3A = tpu.sem_alloc : memref<!tpu.dma_semaphore, #tpu.memory_space<semaphore_mem>>
      tpu.enqueue_dma source(%arg5 : memref<16xf32, #tpu.memory_space<hbm>>) target(%arg10 : memref<16xf32, #tpu.memory_space<vmem>>) target_semaphore(%run_scoped3A : memref<!tpu.dma_semaphore, #tpu.memory_space<semaphore_mem>>)
      tpu.wait_dma2 semaphore(%run_scoped3A : memref<!tpu.dma_semaphore, #tpu.memory_space<semaphore_mem>>) src(%arg5 : memref<16xf32, #tpu.memory_space<hbm>>) dst(%arg10 : memref<16xf32, #tpu.memory_space<vmem>>)
      tpu.yield
    }) : () -> ()
    "tpu.region"() ({
      %run_scoped3A = tpu.sem_alloc : memref<!tpu.dma_semaphore, #tpu.memory_space<semaphore_mem>>
      %dma_start3A = arith.constant 0 : i32
      %dma_start3A_324 = arith.constant 0 : i32
      %dma_start3A_325 = tpu.memref_slice %arg7[%dma_start3A, %dma_start3A_324] : memref<100x512xi32, #tpu.memory_space<vmem>> -> memref<100x128xi32, #tpu.memory_space<vmem>>
      %dma_start3A_326 = arith.constant 0 : i32
      %dma_start3A_327 = tpu.memref_slice %arg2[%dma_start3A_326, %mul3A_2] : memref<100x16384xi32, #tpu.memory_space<hbm>> -> memref<100x128xi32, #tpu.memory_space<hbm>>
      %dma_start3A_328 = arith.constant 0 : i32
      %dma_start3A_329 = arith.constant 0 : i32
      %dma_start3A_330 = tpu.memref_slice %arg7[%dma_start3A_328, %dma_start3A_329] : memref<100x512xi32, #tpu.memory_space<vmem>> -> memref<100x128xi32, #tpu.memory_space<vmem>>
      %dma_start3A_331 = arith.constant 0 : i32
      %dma_start3A_332 = tpu.memref_slice %arg2[%dma_start3A_331, %mul3A_2] : memref<100x16384xi32, #tpu.memory_space<hbm>> -> memref<100x128xi32, #tpu.memory_space<hbm>>
      tpu.enqueue_dma source(%dma_start3A_332 : memref<100x128xi32, #tpu.memory_space<hbm>>) target(%dma_start3A_330 : memref<100x128xi32, #tpu.memory_space<vmem>>) target_semaphore(%run_scoped3A : memref<!tpu.dma_semaphore, #tpu.memory_space<semaphore_mem>>)
      %dma_wait3A = arith.constant 0 : i32
      %dma_wait3A_333 = arith.constant 0 : i32
      %dma_wait3A_334 = tpu.memref_slice %arg7[%dma_wait3A, %dma_wait3A_333] : memref<100x512xi32, #tpu.memory_space<vmem>> -> memref<100x128xi32, #tpu.memory_space<vmem>>
      %dma_wait3A_335 = arith.constant 0 : i32
      %dma_wait3A_336 = tpu.memref_slice %arg2[%dma_wait3A_335, %mul3A_2] : memref<100x16384xi32, #tpu.memory_space<hbm>> -> memref<100x128xi32, #tpu.memory_space<hbm>>
      %dma_wait3A_337 = arith.constant 0 : i32
      %dma_wait3A_338 = arith.constant 0 : i32
      %dma_wait3A_339 = tpu.memref_slice %arg7[%dma_wait3A_337, %dma_wait3A_338] : memref<100x512xi32, #tpu.memory_space<vmem>> -> memref<100x128xi32, #tpu.memory_space<vmem>>
      %dma_wait3A_340 = arith.constant 0 : i32
      %dma_wait3A_341 = tpu.memref_slice %arg2[%dma_wait3A_340, %mul3A_2] : memref<100x16384xi32, #tpu.memory_space<hbm>> -> memref<100x128xi32, #tpu.memory_space<hbm>>
      tpu.wait_dma2 semaphore(%run_scoped3A : memref<!tpu.dma_semaphore, #tpu.memory_space<semaphore_mem>>) src(%dma_wait3A_341 : memref<100x128xi32, #tpu.memory_space<hbm>>) dst(%dma_wait3A_339 : memref<100x128xi32, #tpu.memory_space<vmem>>)
      tpu.yield
    }) : () -> ()
    %get3A = arith.constant 0 : index
    %get3A_3 = tpu.vector_load %arg10[%get3A] {strides = array<i32>} : memref<16xf32, #tpu.memory_space<vmem>>, vector<16xf32>,
    %scan3A = arith.constant 0 : i32
    %broadcast_in_dim3A = vector.broadcast %scan3A : i32 to vector<16xi32>
    %gather3A = tpu.vector_load_idx %arg8[%broadcast_in_dim3A] : memref<100xf32, #tpu.memory_space<vmem>>[vector<16xi32>], vector<16xf32>,
    %gather3A_4 = tpu.vector_load_idx %arg9[%broadcast_in_dim3A] : memref<100xf32, #tpu.memory_space<vmem>>[vector<16xi32>], vector<16xf32>,
    %get3A_5 = arith.index_cast %scan3A : i32 to index
    %get3A_6 = arith.constant 0 : index
    %get3A_7 = tpu.vector_load %arg7[%get3A_5, %get3A_6] {strides = array<i32>} : memref<100x512xi32, #tpu.memory_space<vmem>>, vector<16xi32>,
    %convert_element_type3A = arith.sitofp %get3A_7 : vector<16xi32> to vector<16xf32>
    %mul3A_8 = arith.mulf %convert_element_type3A, %gather3A_4 : vector<16xf32>
    %add3A_9 = arith.addf %gather3A, %mul3A_8 : vector<16xf32>
    %mul3A_10 = arith.mulf %convert_element_type3A, %add3A_9 : vector<16xf32>
    %add3A_11 = arith.addf %get3A_3, %mul3A_10 : vector<16xf32>
    %get3A_12 = arith.index_cast %scan3A : i32 to index
    %get3A_13 = arith.constant 16 : index
    %get3A_14 = tpu.vector_load %arg7[%get3A_12, %get3A_13] {strides = array<i32>} : memref<100x512xi32, #tpu.memory_space<vmem>>, vector<16xi32>,
    %convert_element_type3A_15 = arith.sitofp %get3A_14 : vector<16xi32> to vector<16xf32>
    %mul3A_16 = arith.mulf %convert_element_type3A_15, %gather3A_4 : vector<16xf32>
    %add3A_17 = arith.addf %gather3A, %mul3A_16 : vector<16xf32>
    %mul3A_18 = arith.mulf %convert_element_type3A_15, %add3A_17 : vector<16xf32>
    %add3A_19 = arith.addf %get3A_3, %mul3A_18 : vector<16xf32>
    %get3A_20 = arith.index_cast %scan3A : i32 to index
    %get3A_21 = arith.constant 32 : index
    %get3A_22 = tpu.vector_load %arg7[%get3A_20, %get3A_21] {strides = array<i32>} : memref<100x512xi32, #tpu.memory_space<vmem>>, vector<16xi32>,
    %convert_element_type3A_23 = arith.sitofp %get3A_22 : vector<16xi32> to vector<16xf32>
    %mul3A_24 = arith.mulf %convert_element_type3A_23, %gather3A_4 : vector<16xf32>
    %add3A_25 = arith.addf %gather3A, %mul3A_24 : vector<16xf32>
    %mul3A_26 = arith.mulf %convert_element_type3A_23, %add3A_25 : vector<16xf32>
    %add3A_27 = arith.addf %get3A_3, %mul3A_26 : vector<16xf32>
    %get3A_28 = arith.index_cast %scan3A : i32 to index
    %get3A_29 = arith.constant 48 : index
    %get3A_30 = tpu.vector_load %arg7[%get3A_28, %get3A_29] {strides = array<i32>} : memref<100x512xi32, #tpu.memory_space<vmem>>, vector<16xi32>,
    %convert_element_type3A_31 = arith.sitofp %get3A_30 : vector<16xi32> to vector<16xf32>
    %mul3A_32 = arith.mulf %convert_element_type3A_31, %gather3A_4 : vector<16xf32>
    %add3A_33 = arith.addf %gather3A, %mul3A_32 : vector<16xf32>
    %mul3A_34 = arith.mulf %convert_element_type3A_31, %add3A_33 : vector<16xf32>
    %add3A_35 = arith.addf %get3A_3, %mul3A_34 : vector<16xf32>
    %get3A_36 = arith.index_cast %scan3A : i32 to index
    %get3A_37 = arith.constant 64 : index
    %get3A_38 = tpu.vector_load %arg7[%get3A_36, %get3A_37] {strides = array<i32>} : memref<100x512xi32, #tpu.memory_space<vmem>>, vector<16xi32>,
    %convert_element_type3A_39 = arith.sitofp %get3A_38 : vector<16xi32> to vector<16xf32>
    %mul3A_40 = arith.mulf %convert_element_type3A_39, %gather3A_4 : vector<16xf32>
    %add3A_41 = arith.addf %gather3A, %mul3A_40 : vector<16xf32>
    %mul3A_42 = arith.mulf %convert_element_type3A_39, %add3A_41 : vector<16xf32>
    %add3A_43 = arith.addf %get3A_3, %mul3A_42 : vector<16xf32>
    %get3A_44 = arith.index_cast %scan3A : i32 to index
    %get3A_45 = arith.constant 80 : index
    %get3A_46 = tpu.vector_load %arg7[%get3A_44, %get3A_45] {strides = array<i32>} : memref<100x512xi32, #tpu.memory_space<vmem>>, vector<16xi32>,
    %convert_element_type3A_47 = arith.sitofp %get3A_46 : vector<16xi32> to vector<16xf32>
    %mul3A_48 = arith.mulf %convert_element_type3A_47, %gather3A_4 : vector<16xf32>
    %add3A_49 = arith.addf %gather3A, %mul3A_48 : vector<16xf32>
    %mul3A_50 = arith.mulf %convert_element_type3A_47, %add3A_49 : vector<16xf32>
    %add3A_51 = arith.addf %get3A_3, %mul3A_50 : vector<16xf32>
    %get3A_52 = arith.index_cast %scan3A : i32 to index
    %get3A_53 = arith.constant 96 : index
    %get3A_54 = tpu.vector_load %arg7[%get3A_52, %get3A_53] {strides = array<i32>} : memref<100x512xi32, #tpu.memory_space<vmem>>, vector<16xi32>,
    %convert_element_type3A_55 = arith.sitofp %get3A_54 : vector<16xi32> to vector<16xf32>
    %mul3A_56 = arith.mulf %convert_element_type3A_55, %gather3A_4 : vector<16xf32>
    %add3A_57 = arith.addf %gather3A, %mul3A_56 : vector<16xf32>
    %mul3A_58 = arith.mulf %convert_element_type3A_55, %add3A_57 : vector<16xf32>
    %add3A_59 = arith.addf %get3A_3, %mul3A_58 : vector<16xf32>
    %get3A_60 = arith.index_cast %scan3A : i32 to index
    %get3A_61 = arith.constant 112 : index
    %get3A_62 = tpu.vector_load %arg7[%get3A_60, %get3A_61] {strides = array<i32>} : memref<100x512xi32, #tpu.memory_space<vmem>>, vector<16xi32>,
    %convert_element_type3A_63 = arith.sitofp %get3A_62 : vector<16xi32> to vector<16xf32>
    %mul3A_64 = arith.mulf %convert_element_type3A_63, %gather3A_4 : vector<16xf32>
    %add3A_65 = arith.addf %gather3A, %mul3A_64 : vector<16xf32>
    %mul3A_66 = arith.mulf %convert_element_type3A_63, %add3A_65 : vector<16xf32>
    %add3A_67 = arith.addf %get3A_3, %mul3A_66 : vector<16xf32>
    %get3A_68 = arith.index_cast %scan3A : i32 to index
    %get3A_69 = arith.constant 128 : index
    %get3A_70 = tpu.vector_load %arg7[%get3A_68, %get3A_69] {strides = array<i32>} : memref<100x512xi32, #tpu.memory_space<vmem>>, vector<16xi32>,
    %convert_element_type3A_71 = arith.sitofp %get3A_70 : vector<16xi32> to vector<16xf32>
    %mul3A_72 = arith.mulf %convert_element_type3A_71, %gather3A_4 : vector<16xf32>
    %add3A_73 = arith.addf %gather3A, %mul3A_72 : vector<16xf32>
    %mul3A_74 = arith.mulf %convert_element_type3A_71, %add3A_73 : vector<16xf32>
    %add3A_75 = arith.addf %get3A_3, %mul3A_74 : vector<16xf32>
    %get3A_76 = arith.index_cast %scan3A : i32 to index
    %get3A_77 = arith.constant 144 : index
    %get3A_78 = tpu.vector_load %arg7[%get3A_76, %get3A_77] {strides = array<i32>} : memref<100x512xi32, #tpu.memory_space<vmem>>, vector<16xi32>,
    %convert_element_type3A_79 = arith.sitofp %get3A_78 : vector<16xi32> to vector<16xf32>
    %mul3A_80 = arith.mulf %convert_element_type3A_79, %gather3A_4 : vector<16xf32>
    %add3A_81 = arith.addf %gather3A, %mul3A_80 : vector<16xf32>
    %mul3A_82 = arith.mulf %convert_element_type3A_79, %add3A_81 : vector<16xf32>
    %add3A_83 = arith.addf %get3A_3, %mul3A_82 : vector<16xf32>
    %get3A_84 = arith.index_cast %scan3A : i32 to index
    %get3A_85 = arith.constant 160 : index
    %get3A_86 = tpu.vector_load %arg7[%get3A_84, %get3A_85] {strides = array<i32>} : memref<100x512xi32, #tpu.memory_space<vmem>>, vector<16xi32>,
    %convert_element_type3A_87 = arith.sitofp %get3A_86 : vector<16xi32> to vector<16xf32>
    %mul3A_88 = arith.mulf %convert_element_type3A_87, %gather3A_4 : vector<16xf32>
    %add3A_89 = arith.addf %gather3A, %mul3A_88 : vector<16xf32>
    %mul3A_90 = arith.mulf %convert_element_type3A_87, %add3A_89 : vector<16xf32>
    %add3A_91 = arith.addf %get3A_3, %mul3A_90 : vector<16xf32>
    %get3A_92 = arith.index_cast %scan3A : i32 to index
    %get3A_93 = arith.constant 176 : index
    %get3A_94 = tpu.vector_load %arg7[%get3A_92, %get3A_93] {strides = array<i32>} : memref<100x512xi32, #tpu.memory_space<vmem>>, vector<16xi32>,
    %convert_element_type3A_95 = arith.sitofp %get3A_94 : vector<16xi32> to vector<16xf32>
    %mul3A_96 = arith.mulf %convert_element_type3A_95, %gather3A_4 : vector<16xf32>
    %add3A_97 = arith.addf %gather3A, %mul3A_96 : vector<16xf32>
    %mul3A_98 = arith.mulf %convert_element_type3A_95, %add3A_97 : vector<16xf32>
    %add3A_99 = arith.addf %get3A_3, %mul3A_98 : vector<16xf32>
    %get3A_100 = arith.index_cast %scan3A : i32 to index
    %get3A_101 = arith.constant 192 : index
    %get3A_102 = tpu.vector_load %arg7[%get3A_100, %get3A_101] {strides = array<i32>} : memref<100x512xi32, #tpu.memory_space<vmem>>, vector<16xi32>,
    %convert_element_type3A_103 = arith.sitofp %get3A_102 : vector<16xi32> to vector<16xf32>
    %mul3A_104 = arith.mulf %convert_element_type3A_103, %gather3A_4 : vector<16xf32>
    %add3A_105 = arith.addf %gather3A, %mul3A_104 : vector<16xf32>
    %mul3A_106 = arith.mulf %convert_element_type3A_103, %add3A_105 : vector<16xf32>
    %add3A_107 = arith.addf %get3A_3, %mul3A_106 : vector<16xf32>
    %get3A_108 = arith.index_cast %scan3A : i32 to index
    %get3A_109 = arith.constant 208 : index
    %get3A_110 = tpu.vector_load %arg7[%get3A_108, %get3A_109] {strides = array<i32>} : memref<100x512xi32, #tpu.memory_space<vmem>>, vector<16xi32>,
    %convert_element_type3A_111 = arith.sitofp %get3A_110 : vector<16xi32> to vector<16xf32>
    %mul3A_112 = arith.mulf %convert_element_type3A_111, %gather3A_4 : vector<16xf32>
    %add3A_113 = arith.addf %gather3A, %mul3A_112 : vector<16xf32>
    %mul3A_114 = arith.mulf %convert_element_type3A_111, %add3A_113 : vector<16xf32>
    %add3A_115 = arith.addf %get3A_3, %mul3A_114 : vector<16xf32>
    %get3A_116 = arith.index_cast %scan3A : i32 to index
    %get3A_117 = arith.constant 224 : index
    %get3A_118 = tpu.vector_load %arg7[%get3A_116, %get3A_117] {strides = array<i32>} : memref<100x512xi32, #tpu.memory_space<vmem>>, vector<16xi32>,
    %convert_element_type3A_119 = arith.sitofp %get3A_118 : vector<16xi32> to vector<16xf32>
    %mul3A_120 = arith.mulf %convert_element_type3A_119, %gather3A_4 : vector<16xf32>
    %add3A_121 = arith.addf %gather3A, %mul3A_120 : vector<16xf32>
    %mul3A_122 = arith.mulf %convert_element_type3A_119, %add3A_121 : vector<16xf32>
    %add3A_123 = arith.addf %get3A_3, %mul3A_122 : vector<16xf32>
    %get3A_124 = arith.index_cast %scan3A : i32 to index
    %get3A_125 = arith.constant 240 : index
    %get3A_126 = tpu.vector_load %arg7[%get3A_124, %get3A_125] {strides = array<i32>} : memref<100x512xi32, #tpu.memory_space<vmem>>, vector<16xi32>,
    %convert_element_type3A_127 = arith.sitofp %get3A_126 : vector<16xi32> to vector<16xf32>
    %mul3A_128 = arith.mulf %convert_element_type3A_127, %gather3A_4 : vector<16xf32>
    %add3A_129 = arith.addf %gather3A, %mul3A_128 : vector<16xf32>
    %mul3A_130 = arith.mulf %convert_element_type3A_127, %add3A_129 : vector<16xf32>
    %add3A_131 = arith.addf %get3A_3, %mul3A_130 : vector<16xf32>
    %get3A_132 = arith.index_cast %scan3A : i32 to index
    %get3A_133 = arith.constant 256 : index
    %get3A_134 = tpu.vector_load %arg7[%get3A_132, %get3A_133] {strides = array<i32>} : memref<100x512xi32, #tpu.memory_space<vmem>>, vector<16xi32>,
    %convert_element_type3A_135 = arith.sitofp %get3A_134 : vector<16xi32> to vector<16xf32>
    %mul3A_136 = arith.mulf %convert_element_type3A_135, %gather3A_4 : vector<16xf32>
    %add3A_137 = arith.addf %gather3A, %mul3A_136 : vector<16xf32>
    %mul3A_138 = arith.mulf %convert_element_type3A_135, %add3A_137 : vector<16xf32>
    %add3A_139 = arith.addf %get3A_3, %mul3A_138 : vector<16xf32>
    %get3A_140 = arith.index_cast %scan3A : i32 to index
    %get3A_141 = arith.constant 272 : index
    %get3A_142 = tpu.vector_load %arg7[%get3A_140, %get3A_141] {strides = array<i32>} : memref<100x512xi32, #tpu.memory_space<vmem>>, vector<16xi32>,
    %convert_element_type3A_143 = arith.sitofp %get3A_142 : vector<16xi32> to vector<16xf32>
    %mul3A_144 = arith.mulf %convert_element_type3A_143, %gather3A_4 : vector<16xf32>
    %add3A_145 = arith.addf %gather3A, %mul3A_144 : vector<16xf32>
    %mul3A_146 = arith.mulf %convert_element_type3A_143, %add3A_145 : vector<16xf32>
    %add3A_147 = arith.addf %get3A_3, %mul3A_146 : vector<16xf32>
    %get3A_148 = arith.index_cast %scan3A : i32 to index
    %get3A_149 = arith.constant 288 : index
    %get3A_150 = tpu.vector_load %arg7[%get3A_148, %get3A_149] {strides = array<i32>} : memref<100x512xi32, #tpu.memory_space<vmem>>, vector<16xi32>,
    %convert_element_type3A_151 = arith.sitofp %get3A_150 : vector<16xi32> to vector<16xf32>
    %mul3A_152 = arith.mulf %convert_element_type3A_151, %gather3A_4 : vector<16xf32>
    %add3A_153 = arith.addf %gather3A, %mul3A_152 : vector<16xf32>
    %mul3A_154 = arith.mulf %convert_element_type3A_151, %add3A_153 : vector<16xf32>
    %add3A_155 = arith.addf %get3A_3, %mul3A_154 : vector<16xf32>
    %get3A_156 = arith.index_cast %scan3A : i32 to index
    %get3A_157 = arith.constant 304 : index
    %get3A_158 = tpu.vector_load %arg7[%get3A_156, %get3A_157] {strides = array<i32>} : memref<100x512xi32, #tpu.memory_space<vmem>>, vector<16xi32>,
    %convert_element_type3A_159 = arith.sitofp %get3A_158 : vector<16xi32> to vector<16xf32>
    %mul3A_160 = arith.mulf %convert_element_type3A_159, %gather3A_4 : vector<16xf32>
    %add3A_161 = arith.addf %gather3A, %mul3A_160 : vector<16xf32>
    %mul3A_162 = arith.mulf %convert_element_type3A_159, %add3A_161 : vector<16xf32>
    %add3A_163 = arith.addf %get3A_3, %mul3A_162 : vector<16xf32>
    %get3A_164 = arith.index_cast %scan3A : i32 to index
    %get3A_165 = arith.constant 320 : index
    %get3A_166 = tpu.vector_load %arg7[%get3A_164, %get3A_165] {strides = array<i32>} : memref<100x512xi32, #tpu.memory_space<vmem>>, vector<16xi32>,
    %convert_element_type3A_167 = arith.sitofp %get3A_166 : vector<16xi32> to vector<16xf32>
    %mul3A_168 = arith.mulf %convert_element_type3A_167, %gather3A_4 : vector<16xf32>
    %add3A_169 = arith.addf %gather3A, %mul3A_168 : vector<16xf32>
    %mul3A_170 = arith.mulf %convert_element_type3A_167, %add3A_169 : vector<16xf32>
    %add3A_171 = arith.addf %get3A_3, %mul3A_170 : vector<16xf32>
    %get3A_172 = arith.index_cast %scan3A : i32 to index
    %get3A_173 = arith.constant 336 : index
    %get3A_174 = tpu.vector_load %arg7[%get3A_172, %get3A_173] {strides = array<i32>} : memref<100x512xi32, #tpu.memory_space<vmem>>, vector<16xi32>,
    %convert_element_type3A_175 = arith.sitofp %get3A_174 : vector<16xi32> to vector<16xf32>
    %mul3A_176 = arith.mulf %convert_element_type3A_175, %gather3A_4 : vector<16xf32>
    %add3A_177 = arith.addf %gather3A, %mul3A_176 : vector<16xf32>
    %mul3A_178 = arith.mulf %convert_element_type3A_175, %add3A_177 : vector<16xf32>
    %add3A_179 = arith.addf %get3A_3, %mul3A_178 : vector<16xf32>
    %get3A_180 = arith.index_cast %scan3A : i32 to index
    %get3A_181 = arith.constant 352 : index
    %get3A_182 = tpu.vector_load %arg7[%get3A_180, %get3A_181] {strides = array<i32>} : memref<100x512xi32, #tpu.memory_space<vmem>>, vector<16xi32>,
    %convert_element_type3A_183 = arith.sitofp %get3A_182 : vector<16xi32> to vector<16xf32>
    %mul3A_184 = arith.mulf %convert_element_type3A_183, %gather3A_4 : vector<16xf32>
    %add3A_185 = arith.addf %gather3A, %mul3A_184 : vector<16xf32>
    %mul3A_186 = arith.mulf %convert_element_type3A_183, %add3A_185 : vector<16xf32>
    %add3A_187 = arith.addf %get3A_3, %mul3A_186 : vector<16xf32>
    %get3A_188 = arith.index_cast %scan3A : i32 to index
    %get3A_189 = arith.constant 368 : index
    %get3A_190 = tpu.vector_load %arg7[%get3A_188, %get3A_189] {strides = array<i32>} : memref<100x512xi32, #tpu.memory_space<vmem>>, vector<16xi32>,
    %convert_element_type3A_191 = arith.sitofp %get3A_190 : vector<16xi32> to vector<16xf32>
    %mul3A_192 = arith.mulf %convert_element_type3A_191, %gather3A_4 : vector<16xf32>
    %add3A_193 = arith.addf %gather3A, %mul3A_192 : vector<16xf32>
    %mul3A_194 = arith.mulf %convert_element_type3A_191, %add3A_193 : vector<16xf32>
    %add3A_195 = arith.addf %get3A_3, %mul3A_194 : vector<16xf32>
    %get3A_196 = arith.index_cast %scan3A : i32 to index
    %get3A_197 = arith.constant 384 : index
    %get3A_198 = tpu.vector_load %arg7[%get3A_196, %get3A_197] {strides = array<i32>} : memref<100x512xi32, #tpu.memory_space<vmem>>, vector<16xi32>,
    %convert_element_type3A_199 = arith.sitofp %get3A_198 : vector<16xi32> to vector<16xf32>
    %mul3A_200 = arith.mulf %convert_element_type3A_199, %gather3A_4 : vector<16xf32>
    %add3A_201 = arith.addf %gather3A, %mul3A_200 : vector<16xf32>
    %mul3A_202 = arith.mulf %convert_element_type3A_199, %add3A_201 : vector<16xf32>
    %add3A_203 = arith.addf %get3A_3, %mul3A_202 : vector<16xf32>
    %get3A_204 = arith.index_cast %scan3A : i32 to index
    %get3A_205 = arith.constant 400 : index
    %get3A_206 = tpu.vector_load %arg7[%get3A_204, %get3A_205] {strides = array<i32>} : memref<100x512xi32, #tpu.memory_space<vmem>>, vector<16xi32>,
    %convert_element_type3A_207 = arith.sitofp %get3A_206 : vector<16xi32> to vector<16xf32>
    %mul3A_208 = arith.mulf %convert_element_type3A_207, %gather3A_4 : vector<16xf32>
    %add3A_209 = arith.addf %gather3A, %mul3A_208 : vector<16xf32>
    %mul3A_210 = arith.mulf %convert_element_type3A_207, %add3A_209 : vector<16xf32>
    %add3A_211 = arith.addf %get3A_3, %mul3A_210 : vector<16xf32>
    %get3A_212 = arith.index_cast %scan3A : i32 to index
    %get3A_213 = arith.constant 416 : index
    %get3A_214 = tpu.vector_load %arg7[%get3A_212, %get3A_213] {strides = array<i32>} : memref<100x512xi32, #tpu.memory_space<vmem>>, vector<16xi32>,
    %convert_element_type3A_215 = arith.sitofp %get3A_214 : vector<16xi32> to vector<16xf32>
    %mul3A_216 = arith.mulf %convert_element_type3A_215, %gather3A_4 : vector<16xf32>
    %add3A_217 = arith.addf %gather3A, %mul3A_216 : vector<16xf32>
    %mul3A_218 = arith.mulf %convert_element_type3A_215, %add3A_217 : vector<16xf32>
    %add3A_219 = arith.addf %get3A_3, %mul3A_218 : vector<16xf32>
    %get3A_220 = arith.index_cast %scan3A : i32 to index
    %get3A_221 = arith.constant 432 : index
    %get3A_222 = tpu.vector_load %arg7[%get3A_220, %get3A_221] {strides = array<i32>} : memref<100x512xi32, #tpu.memory_space<vmem>>, vector<16xi32>,
    %convert_element_type3A_223 = arith.sitofp %get3A_222 : vector<16xi32> to vector<16xf32>
    %mul3A_224 = arith.mulf %convert_element_type3A_223, %gather3A_4 : vector<16xf32>
    %add3A_225 = arith.addf %gather3A, %mul3A_224 : vector<16xf32>
    %mul3A_226 = arith.mulf %convert_element_type3A_223, %add3A_225 : vector<16xf32>
    %add3A_227 = arith.addf %get3A_3, %mul3A_226 : vector<16xf32>
    %get3A_228 = arith.index_cast %scan3A : i32 to index
    %get3A_229 = arith.constant 448 : index
    %get3A_230 = tpu.vector_load %arg7[%get3A_228, %get3A_229] {strides = array<i32>} : memref<100x512xi32, #tpu.memory_space<vmem>>, vector<16xi32>,
    %convert_element_type3A_231 = arith.sitofp %get3A_230 : vector<16xi32> to vector<16xf32>
    %mul3A_232 = arith.mulf %convert_element_type3A_231, %gather3A_4 : vector<16xf32>
    %add3A_233 = arith.addf %gather3A, %mul3A_232 : vector<16xf32>
    %mul3A_234 = arith.mulf %convert_element_type3A_231, %add3A_233 : vector<16xf32>
    %add3A_235 = arith.addf %get3A_3, %mul3A_234 : vector<16xf32>
    %get3A_236 = arith.index_cast %scan3A : i32 to index
    %get3A_237 = arith.constant 464 : index
    %get3A_238 = tpu.vector_load %arg7[%get3A_236, %get3A_237] {strides = array<i32>} : memref<100x512xi32, #tpu.memory_space<vmem>>, vector<16xi32>,
    %convert_element_type3A_239 = arith.sitofp %get3A_238 : vector<16xi32> to vector<16xf32>
    %mul3A_240 = arith.mulf %convert_element_type3A_239, %gather3A_4 : vector<16xf32>
    %add3A_241 = arith.addf %gather3A, %mul3A_240 : vector<16xf32>
    %mul3A_242 = arith.mulf %convert_element_type3A_239, %add3A_241 : vector<16xf32>
    %add3A_243 = arith.addf %get3A_3, %mul3A_242 : vector<16xf32>
    %get3A_244 = arith.index_cast %scan3A : i32 to index
    %get3A_245 = arith.constant 480 : index
    %get3A_246 = tpu.vector_load %arg7[%get3A_244, %get3A_245] {strides = array<i32>} : memref<100x512xi32, #tpu.memory_space<vmem>>, vector<16xi32>,
    %convert_element_type3A_247 = arith.sitofp %get3A_246 : vector<16xi32> to vector<16xf32>
    %mul3A_248 = arith.mulf %convert_element_type3A_247, %gather3A_4 : vector<16xf32>
    %add3A_249 = arith.addf %gather3A, %mul3A_248 : vector<16xf32>
    %mul3A_250 = arith.mulf %convert_element_type3A_247, %add3A_249 : vector<16xf32>
    %add3A_251 = arith.addf %get3A_3, %mul3A_250 : vector<16xf32>
    %get3A_252 = arith.index_cast %scan3A : i32 to index
    %get3A_253 = arith.constant 496 : index
    %get3A_254 = tpu.vector_load %arg7[%get3A_252, %get3A_253] {strides = array<i32>} : memref<100x512xi32, #tpu.memory_space<vmem>>, vector<16xi32>,
    %convert_element_type3A_255 = arith.sitofp %get3A_254 : vector<16xi32> to vector<16xf32>
    %mul3A_256 = arith.mulf %convert_element_type3A_255, %gather3A_4 : vector<16xf32>
    %add3A_257 = arith.addf %gather3A, %mul3A_256 : vector<16xf32>
    %mul3A_258 = arith.mulf %convert_element_type3A_255, %add3A_257 : vector<16xf32>
    %add3A_259 = arith.addf %get3A_3, %mul3A_258 : vector<16xf32>
    %scan3A_260 = arith.constant 1 : i32
    %swap3A = arith.constant 0 : index
    %swap3A_261 = tpu.vector_load %arg11[%swap3A] {strides = array<i32>} : memref<512xf32, #tpu.memory_space<vmem>>, vector<16xf32>,
    tpu.vector_store %arg11[%swap3A], %add3A_11 {strides = array<i32>} : memref<512xf32, #tpu.memory_space<vmem>>, vector<16xf32>,
    %swap3A_262 = arith.constant 16 : index
    %swap3A_263 = tpu.vector_load %arg11[%swap3A_262] {strides = array<i32>} : memref<512xf32, #tpu.memory_space<vmem>>, vector<16xf32>,
    tpu.vector_store %arg11[%swap3A_262], %add3A_19 {strides = array<i32>} : memref<512xf32, #tpu.memory_space<vmem>>, vector<16xf32>,
    %swap3A_264 = arith.constant 32 : index
    %swap3A_265 = tpu.vector_load %arg11[%swap3A_264] {strides = array<i32>} : memref<512xf32, #tpu.memory_space<vmem>>, vector<16xf32>,
    tpu.vector_store %arg11[%swap3A_264], %add3A_27 {strides = array<i32>} : memref<512xf32, #tpu.memory_space<vmem>>, vector<16xf32>,
    %swap3A_266 = arith.constant 48 : index
    %swap3A_267 = tpu.vector_load %arg11[%swap3A_266] {strides = array<i32>} : memref<512xf32, #tpu.memory_space<vmem>>, vector<16xf32>,
    tpu.vector_store %arg11[%swap3A_266], %add3A_35 {strides = array<i32>} : memref<512xf32, #tpu.memory_space<vmem>>, vector<16xf32>,
    %swap3A_268 = arith.constant 64 : index
    %swap3A_269 = tpu.vector_load %arg11[%swap3A_268] {strides = array<i32>} : memref<512xf32, #tpu.memory_space<vmem>>, vector<16xf32>,
    tpu.vector_store %arg11[%swap3A_268], %add3A_43 {strides = array<i32>} : memref<512xf32, #tpu.memory_space<vmem>>, vector<16xf32>,
    %swap3A_270 = arith.constant 80 : index
    %swap3A_271 = tpu.vector_load %arg11[%swap3A_270] {strides = array<i32>} : memref<512xf32, #tpu.memory_space<vmem>>, vector<16xf32>,
    tpu.vector_store %arg11[%swap3A_270], %add3A_51 {strides = array<i32>} : memref<512xf32, #tpu.memory_space<vmem>>, vector<16xf32>,
    %swap3A_272 = arith.constant 96 : index
    %swap3A_273 = tpu.vector_load %arg11[%swap3A_272] {strides = array<i32>} : memref<512xf32, #tpu.memory_space<vmem>>, vector<16xf32>,
    tpu.vector_store %arg11[%swap3A_272], %add3A_59 {strides = array<i32>} : memref<512xf32, #tpu.memory_space<vmem>>, vector<16xf32>,
    %swap3A_274 = arith.constant 112 : index
    %swap3A_275 = tpu.vector_load %arg11[%swap3A_274] {strides = array<i32>} : memref<512xf32, #tpu.memory_space<vmem>>, vector<16xf32>,
    tpu.vector_store %arg11[%swap3A_274], %add3A_67 {strides = array<i32>} : memref<512xf32, #tpu.memory_space<vmem>>, vector<16xf32>,
    %swap3A_276 = arith.constant 128 : index
    %swap3A_277 = tpu.vector_load %arg11[%swap3A_276] {strides = array<i32>} : memref<512xf32, #tpu.memory_space<vmem>>, vector<16xf32>,
    tpu.vector_store %arg11[%swap3A_276], %add3A_75 {strides = array<i32>} : memref<512xf32, #tpu.memory_space<vmem>>, vector<16xf32>,
    %swap3A_278 = arith.constant 144 : index
    %swap3A_279 = tpu.vector_load %arg11[%swap3A_278] {strides = array<i32>} : memref<512xf32, #tpu.memory_space<vmem>>, vector<16xf32>,
    tpu.vector_store %arg11[%swap3A_278], %add3A_83 {strides = array<i32>} : memref<512xf32, #tpu.memory_space<vmem>>, vector<16xf32>,
    %swap3A_280 = arith.constant 160 : index
    %swap3A_281 = tpu.vector_load %arg11[%swap3A_280] {strides = array<i32>} : memref<512xf32, #tpu.memory_space<vmem>>, vector<16xf32>,
    tpu.vector_store %arg11[%swap3A_280], %add3A_91 {strides = array<i32>} : memref<512xf32, #tpu.memory_space<vmem>>, vector<16xf32>,
    %swap3A_282 = arith.constant 176 : index
    %swap3A_283 = tpu.vector_load %arg11[%swap3A_282] {strides = array<i32>} : memref<512xf32, #tpu.memory_space<vmem>>, vector<16xf32>,
    tpu.vector_store %arg11[%swap3A_282], %add3A_99 {strides = array<i32>} : memref<512xf32, #tpu.memory_space<vmem>>, vector<16xf32>,
    %swap3A_284 = arith.constant 192 : index
    %swap3A_285 = tpu.vector_load %arg11[%swap3A_284] {strides = array<i32>} : memref<512xf32, #tpu.memory_space<vmem>>, vector<16xf32>,
    tpu.vector_store %arg11[%swap3A_284], %add3A_107 {strides = array<i32>} : memref<512xf32, #tpu.memory_space<vmem>>, vector<16xf32>,
    %swap3A_286 = arith.constant 208 : index
    %swap3A_287 = tpu.vector_load %arg11[%swap3A_286] {strides = array<i32>} : memref<512xf32, #tpu.memory_space<vmem>>, vector<16xf32>,
    tpu.vector_store %arg11[%swap3A_286], %add3A_115 {strides = array<i32>} : memref<512xf32, #tpu.memory_space<vmem>>, vector<16xf32>,
    %swap3A_288 = arith.constant 224 : index
    %swap3A_289 = tpu.vector_load %arg11[%swap3A_288] {strides = array<i32>} : memref<512xf32, #tpu.memory_space<vmem>>, vector<16xf32>,
    tpu.vector_store %arg11[%swap3A_288], %add3A_123 {strides = array<i32>} : memref<512xf32, #tpu.memory_space<vmem>>, vector<16xf32>,
    %swap3A_290 = arith.constant 240 : index
    %swap3A_291 = tpu.vector_load %arg11[%swap3A_290] {strides = array<i32>} : memref<512xf32, #tpu.memory_space<vmem>>, vector<16xf32>,
    tpu.vector_store %arg11[%swap3A_290], %add3A_131 {strides = array<i32>} : memref<512xf32, #tpu.memory_space<vmem>>, vector<16xf32>,
    %swap3A_292 = arith.constant 256 : index
    %swap3A_293 = tpu.vector_load %arg11[%swap3A_292] {strides = array<i32>} : memref<512xf32, #tpu.memory_space<vmem>>, vector<16xf32>,
    tpu.vector_store %arg11[%swap3A_292], %add3A_139 {strides = array<i32>} : memref<512xf32, #tpu.memory_space<vmem>>, vector<16xf32>,
    %swap3A_294 = arith.constant 272 : index
    %swap3A_295 = tpu.vector_load %arg11[%swap3A_294] {strides = array<i32>} : memref<512xf32, #tpu.memory_space<vmem>>, vector<16xf32>,
    tpu.vector_store %arg11[%swap3A_294], %add3A_147 {strides = array<i32>} : memref<512xf32, #tpu.memory_space<vmem>>, vector<16xf32>,
    %swap3A_296 = arith.constant 288 : index
    %swap3A_297 = tpu.vector_load %arg11[%swap3A_296] {strides = array<i32>} : memref<512xf32, #tpu.memory_space<vmem>>, vector<16xf32>,
    tpu.vector_store %arg11[%swap3A_296], %add3A_155 {strides = array<i32>} : memref<512xf32, #tpu.memory_space<vmem>>, vector<16xf32>,
    %swap3A_298 = arith.constant 304 : index
    %swap3A_299 = tpu.vector_load %arg11[%swap3A_298] {strides = array<i32>} : memref<512xf32, #tpu.memory_space<vmem>>, vector<16xf32>,
    tpu.vector_store %arg11[%swap3A_298], %add3A_163 {strides = array<i32>} : memref<512xf32, #tpu.memory_space<vmem>>, vector<16xf32>,
    %swap3A_300 = arith.constant 320 : index
    %swap3A_301 = tpu.vector_load %arg11[%swap3A_300] {strides = array<i32>} : memref<512xf32, #tpu.memory_space<vmem>>, vector<16xf32>,
    tpu.vector_store %arg11[%swap3A_300], %add3A_171 {strides = array<i32>} : memref<512xf32, #tpu.memory_space<vmem>>, vector<16xf32>,
    %swap3A_302 = arith.constant 336 : index
    %swap3A_303 = tpu.vector_load %arg11[%swap3A_302] {strides = array<i32>} : memref<512xf32, #tpu.memory_space<vmem>>, vector<16xf32>,
    tpu.vector_store %arg11[%swap3A_302], %add3A_179 {strides = array<i32>} : memref<512xf32, #tpu.memory_space<vmem>>, vector<16xf32>,
    %swap3A_304 = arith.constant 352 : index
    %swap3A_305 = tpu.vector_load %arg11[%swap3A_304] {strides = array<i32>} : memref<512xf32, #tpu.memory_space<vmem>>, vector<16xf32>,
    tpu.vector_store %arg11[%swap3A_304], %add3A_187 {strides = array<i32>} : memref<512xf32, #tpu.memory_space<vmem>>, vector<16xf32>,
    %swap3A_306 = arith.constant 368 : index
    %swap3A_307 = tpu.vector_load %arg11[%swap3A_306] {strides = array<i32>} : memref<512xf32, #tpu.memory_space<vmem>>, vector<16xf32>,
    tpu.vector_store %arg11[%swap3A_306], %add3A_195 {strides = array<i32>} : memref<512xf32, #tpu.memory_space<vmem>>, vector<16xf32>,
    %swap3A_308 = arith.constant 384 : index
    %swap3A_309 = tpu.vector_load %arg11[%swap3A_308] {strides = array<i32>} : memref<512xf32, #tpu.memory_space<vmem>>, vector<16xf32>,
    tpu.vector_store %arg11[%swap3A_308], %add3A_203 {strides = array<i32>} : memref<512xf32, #tpu.memory_space<vmem>>, vector<16xf32>,
    %swap3A_310 = arith.constant 400 : index
    %swap3A_311 = tpu.vector_load %arg11[%swap3A_310] {strides = array<i32>} : memref<512xf32, #tpu.memory_space<vmem>>, vector<16xf32>,
    tpu.vector_store %arg11[%swap3A_310], %add3A_211 {strides = array<i32>} : memref<512xf32, #tpu.memory_space<vmem>>, vector<16xf32>,
    %swap3A_312 = arith.constant 416 : index
    %swap3A_313 = tpu.vector_load %arg11[%swap3A_312] {strides = array<i32>} : memref<512xf32, #tpu.memory_space<vmem>>, vector<16xf32>,
    tpu.vector_store %arg11[%swap3A_312], %add3A_219 {strides = array<i32>} : memref<512xf32, #tpu.memory_space<vmem>>, vector<16xf32>,
    %swap3A_314 = arith.constant 432 : index
    %swap3A_315 = tpu.vector_load %arg11[%swap3A_314] {strides = array<i32>} : memref<512xf32, #tpu.memory_space<vmem>>, vector<16xf32>,
    tpu.vector_store %arg11[%swap3A_314], %add3A_227 {strides = array<i32>} : memref<512xf32, #tpu.memory_space<vmem>>, vector<16xf32>,
    %swap3A_316 = arith.constant 448 : index
    %swap3A_317 = tpu.vector_load %arg11[%swap3A_316] {strides = array<i32>} : memref<512xf32, #tpu.memory_space<vmem>>, vector<16xf32>,
    tpu.vector_store %arg11[%swap3A_316], %add3A_235 {strides = array<i32>} : memref<512xf32, #tpu.memory_space<vmem>>, vector<16xf32>,
    %swap3A_318 = arith.constant 464 : index
    %swap3A_319 = tpu.vector_load %arg11[%swap3A_318] {strides = array<i32>} : memref<512xf32, #tpu.memory_space<vmem>>, vector<16xf32>,
    tpu.vector_store %arg11[%swap3A_318], %add3A_243 {strides = array<i32>} : memref<512xf32, #tpu.memory_space<vmem>>, vector<16xf32>,
    %swap3A_320 = arith.constant 480 : index
    %swap3A_321 = tpu.vector_load %arg11[%swap3A_320] {strides = array<i32>} : memref<512xf32, #tpu.memory_space<vmem>>, vector<16xf32>,
    tpu.vector_store %arg11[%swap3A_320], %add3A_251 {strides = array<i32>} : memref<512xf32, #tpu.memory_space<vmem>>, vector<16xf32>,
    %swap3A_322 = arith.constant 496 : index
    %swap3A_323 = tpu.vector_load %arg11[%swap3A_322] {strides = array<i32>} : memref<512xf32, #tpu.memory_space<vmem>>, vector<16xf32>,
    tpu.vector_store %arg11[%swap3A_322], %add3A_259 {strides = array<i32>} : memref<512xf32, #tpu.memory_space<vmem>>, vector<16xf32>,
    "tpu.region"() ({
      %run_scoped3A = tpu.sem_alloc : memref<!tpu.dma_semaphore, #tpu.memory_space<semaphore_mem>>
      %dma_start3A = tpu.memref_slice %arg6[%mul3A_2] : memref<16384xf32, #tpu.memory_space<hbm>> -> memref<512xf32, #tpu.memory_space<hbm>>
      %dma_start3A_324 = tpu.memref_slice %arg6[%mul3A_2] : memref<16384xf32, #tpu.memory_space<hbm>> -> memref<512xf32, #tpu.memory_space<hbm>>
      tpu.enqueue_dma source(%arg11 : memref<512xf32, #tpu.memory_space<vmem>>) target(%dma_start3A_324 : memref<512xf32, #tpu.memory_space<hbm>>) target_semaphore(%run_scoped3A : memref<!tpu.dma_semaphore, #tpu.memory_space<semaphore_mem>>)
      %dma_wait3A = tpu.memref_slice %arg6[%mul3A_2] : memref<16384xf32, #tpu.memory_space<hbm>> -> memref<512xf32, #tpu.memory_space<hbm>>
      %dma_wait3A_325 = tpu.memref_slice %arg6[%mul3A_2] : memref<16384xf32, #tpu.memory_space<hbm>> -> memref<512xf32, #tpu.memory_space<hbm>>
      tpu.wait_dma2 semaphore(%run_scoped3A : memref<!tpu.dma_semaphore, #tpu.memory_space<semaphore_mem>>) src(%arg11 : memref<512xf32, #tpu.memory_space<vmem>>) dst(%dma_wait3A_325 : memref<512xf32, #tpu.memory_space<hbm>>)
      tpu.yield
    }) : () -> ()
    return
  }
}

</mosaic_0001>

<sc_bundles>
// kernel: kernel.3.cloned.1.call-start
scs
__scs_entry_jumppad:
0x0: {  	(pc) =	sbr.rel $0x88, $3  }
0x1: {  	(tag) =	ssettag $0x0;
	lr =	simm.s32 $0x1  }
0x2: {  	[smem:$0x3F9D] =	sst lr;
	_ =	strace $0xD0000000  }
0x3: {  	_ = 	snop  }
0x4: {  	_ = 	snop  }
0x5: {  	_ = 	snop  }
0x6: {  	_ = 	snop  }
0x7: {  	_ = 	snop  }
__scs_overlays_trampoline_lowered:
0x8: {  	[smem:$0x3FAC] =	sst s0  }
0x9: {  	[smem:$0x3FAD] =	sst s1  }
0xa: {  	[smem:$0x3FAE] =	sst s2  }
0xb: {  	[smem:$0x3FAF] =	sst s3  }
0xc: {  	[smem:$0x3FB0] =	sst s4  }
0xd: {  	[smem:$0x3FB1] =	sst s5  }
0xe: {  	[smem:$0x3FB2] =	sst s6  }
0xf: {  	[smem:$0x3FB3] =	sst s7  }
0x10: {  	[smem:$0x3FB4] =	sst s8  }
0x11: {  	[smem:$0x3FB5] =	sst s9;
	s0 =	simm.s32 @!p0 $0x0  }
0x12: {  	s1 =	sld [smem:$0x3F9B];
	s0 =	simm.s32 @p0 $0x1  }
0x13: {  	[smem:$0x3FB6] =	sst s0;
	s0 =	simm.s32 @!p1 $0x0  }
0x14: {  	s2 =	sld [smem:$0x3F9A];
	s0 =	simm.s32 @p1 $0x1  }
0x15: {  	[smem:$0x3FB7] =	sst s0;
	s0 =	simm.s32 @!p2 $0x0  }
0x16: {  	s3 =	sld [smem:$0x3FDB];
	s0 =	simm.s32 @p2 $0x1  }
0x17: {  	s4 =	simm.s32 $0x1BF5;
	[smem:$0x3FB9] =	sst s0  }
0x18: {  	s0 =	sld [smem:$0x3F9C];
	_ =	swait.ge [sflag:s4], $0x0  }
0x19: {  	s7 =	sld [smem:$0x3F9D]  }
0x1a: {  	s8 =	sadd.s32 $0xFFFFE003, lr  }
0x1b: {  	s9 =	sadd.s32 $0xFFFFFEF7, lr;
	s5 =	simm.s32 $0xFFFFFFFF;
	p2 =	slt.u32 s8, $0xFFFFF086  }
0x1c: {  	p1 =	slt.u32 s9, $0xF7A;
	s5 =	simm.s32 @!p2 $0x0  }
0x1d: {  	s5 =	simm.s32 @p1 $0x1;
	p0 =	seq.s32 s7, s2  }
0x1e: {  	s7 =	smul.u32 @!p0 $0xF7A, s2;
	p2 =	seq.s32 @!p0 s5, $0x0  }
0x1f: {  	s9 =	smul.u32 $0xF7A, s1;
	s8 =	simm.s32 @!p0 $0x1BF5;
	p2 =	por !p2, p0  }
0x20: {  	[sflag:s8] =	ssyncset.s32 @!p0 $0xFFFFF086;
	s6 =	sadd.s32 @!p0 s3, s7;
	s7 =	simm.s32 @!p0 $0x108  }
0x21: {  	s3 =	sadd.s32 s3, s9;
	s6 =	sadd.s32 @!p0 $0x88, s6;
	s7 =	simm.s32 @p2 $0x1082  }
0x22: {  	[simem:s7], [sflag:s8] =	dma.local @!p0 [hbm:s6], $0xF7A  }
0x23: {  	s9 =	sor.u32 $0xD0000000, s2;
	s6 =	simm.s32 $0x108;
	_ =	swait.ge @!p0 [sflag:s8], $0x0  }
0x24: {  	s3 =	sadd.s32 $0x88, s3;
	s6 =	simm.s32 @!p1 $0x1082;
	[sflag:s4] =	ssyncset.s32 $0xFFFFF086  }
0x25: {  	[simem:s6], [sflag:s4] =	dma.local [hbm:s3], $0xF7A  }
0x26: {  	[smem:$0x3F9D] =	sst s1;
	(tag) =	ssettag s2;
	_ =	strace s9  }
0x27: {  	s1 =	sld [smem:$0x3FAD]  }
0x28: {  	s2 =	sld [smem:$0x3FAE]  }
0x29: {  	s4 =	sld [smem:$0x3FB0]  }
0x2a: {  	p0 =	seq.s32 s5, $0x0;
	s5 =	sld [smem:$0x3FB1]  }
0x2b: {  	s6 =	sld [smem:$0x3FB2]  }
0x2c: {  	s7 =	sld [smem:$0x3FB3]  }
0x2d: {  	s3 =	simm.s32 $0x108;
	s8 =	sld [smem:$0x3FB4]  }
0x2e: {  	s3 =	simm.s32 @!p0 $0x1082;
	s9 =	sld [smem:$0x3FB5]  }
0x2f: {  	lr =	sadd.s32 s0, s3;
	s0 =	sld [smem:$0x3FAC]  }
0x30: {  	s3 =	sld [smem:$0x3FAF]  }
0x31: {  	[smem:$0x3FB8] =	sst s10  }
0x32: {  	s10 =	sld [smem:$0x3FB6];
	_ =	sdelay $0x3  }
0x33: {  	p0 =	seq.s32 s10, $0x1;
	s10 =	sld [smem:$0x3FB8];
	_ =	sdelay $0x3  }
0x34: {  	[smem:$0x3FB8] =	sst s10  }
0x35: {  	s10 =	sld [smem:$0x3FB7];
	_ =	sdelay $0x3  }
0x36: {  	p1 =	seq.s32 s10, $0x1;
	s10 =	sld [smem:$0x3FB8];
	_ =	sdelay $0x3  }
0x37: {  	[smem:$0x3FB8] =	sst s10  }
0x38: {  	s10 =	sld [smem:$0x3FB9]  }
0x39: {  	_ = 	snop;
	(pc) =	sbr.ind lr, $3  }
0x3a: {  	_ = 	snop  }
0x3b: {  	_ = 	snop  }
0x3c: {  	p2 =	seq.s32 s10, $0x1;
	s10 =	sld [smem:$0x3FB8]  }
0x3d: {  	_ =	shalt  }
0x3e: {  	_ =	shalt  }
0x3f: {  	_ =	shalt  }
0x40: {  	_ =	shalt  }
0x41: {  	_ =	shalt  }
0x42: {  	_ =	shalt  }
0x43: {  	_ =	shalt  }
0x44: {  	_ =	shalt  }
0x45: {  	_ =	shalt  }
0x46: {  	_ =	shalt  }
0x47: {  	_ =	shalt  }
0x48: {  	_ =	shalt  }
0x49: {  	_ =	shalt  }
0x4a: {  	_ =	shalt  }
0x4b: {  	_ =	shalt  }
0x4c: {  	_ =	shalt  }
0x4d: {  	_ =	shalt  }
0x4e: {  	_ =	shalt  }
0x4f: {  	_ =	shalt  }
0x50: {  	_ =	shalt  }
0x51: {  	_ =	shalt  }
0x52: {  	_ =	shalt  }
0x53: {  	_ =	shalt  }
0x54: {  	_ =	shalt  }
0x55: {  	_ =	shalt  }
0x56: {  	_ =	shalt  }
0x57: {  	_ =	shalt  }
0x58: {  	_ =	shalt  }
0x59: {  	_ =	shalt  }
0x5a: {  	_ =	shalt  }
0x5b: {  	_ =	shalt  }
0x5c: {  	_ =	shalt  }
0x5d: {  	_ =	shalt  }
0x5e: {  	_ =	shalt  }
0x5f: {  	_ =	shalt  }
0x60: {  	_ =	shalt  }
0x61: {  	_ =	shalt  }
0x62: {  	_ =	shalt  }
0x63: {  	_ =	shalt  }
0x64: {  	_ =	shalt  }
0x65: {  	_ =	shalt  }
0x66: {  	_ =	shalt  }
0x67: {  	_ =	shalt  }
0x68: {  	_ =	shalt  }
0x69: {  	_ =	shalt  }
0x6a: {  	_ =	shalt  }
0x6b: {  	_ =	shalt  }
0x6c: {  	_ =	shalt  }
0x6d: {  	_ =	shalt  }
0x6e: {  	_ =	shalt  }
0x6f: {  	_ =	shalt  }
0x70: {  	_ =	shalt  }
0x71: {  	_ =	shalt  }
0x72: {  	_ =	shalt  }
0x73: {  	_ =	shalt  }
0x74: {  	_ =	shalt  }
0x75: {  	_ =	shalt  }
0x76: {  	_ =	shalt  }
0x77: {  	_ =	shalt  }
0x78: {  	_ =	shalt  }
0x79: {  	_ =	shalt  }
0x7a: {  	_ =	shalt  }
0x7b: {  	_ =	shalt  }
0x7c: {  	_ =	shalt  }
0x7d: {  	_ =	shalt  }
0x7e: {  	_ =	shalt  }
0x7f: {  	_ =	shalt  }
0x80: {  	_ =	shalt  }
0x81: {  	_ =	shalt  }
0x82: {  	_ =	shalt  }
0x83: {  	_ =	shalt  }
0x84: {  	_ =	shalt  }
0x85: {  	_ =	shalt  }
0x86: {  	_ =	shalt  }
0x87: {  	_ =	shalt  }
.Lfunc_end0:
.L_simem_size_0:
called_computation_lowered:
.L_overlay_start_0:
0x88: {  	s2 =	sld [smem:$0x3FD9]  }
0x89: {  	s3 =	sld [smem:$0x3FFE];
	_ =	sdelay $0x1  }
0x8a: {  	s1 =	srdreg.scid  }
0x8b: {  	s0 =	sand.u32 $0x1, s1  }
0x8c: {  	s17 =	sshll.u32 s0, $0xA;
	s2 =	sadd.s32 s3, s2  }
0x8d: {  	s2 =	sadd.s32 s2, s17  }
0x8e: {  	[smem:$0x3FC4] =	sst s2  }
0x8f: {  	_ = 	snop  }
0x90: {  	s2 =	sld [smem:$0x3FC9]  }
0x91: {  	s18 =	sld [smem:$0x3FD0];
	(tm) =	ssettm $0x1  }
0x92: {  	s4 =	sld [smem:$0x3FFB];
	_ =	sdelay $0x3  }
0x93: {  	_ =	strace s4  }
0x94: {  	s4 =	sld [smem:$0x3FFC];
	_ =	sdelay $0x3  }
0x95: {  	_ =	strace s4  }
0x96: {  	s4 =	sld [smem:$0x3FFD];
	_ =	sdelay $0x3  }
0x97: {  	_ =	strace s4  }
0x98: {  	_ =	strace $0x8FFFFFFF  }
0x99: {  	s19 =	sld [smem:$0x3FDB];
	_ =	sdelay $0x1  }
0x9a: {  	s5 =	simm.s32 $_scs_section_size  }
0x9b: {  	s6 =	simm.s32 $_size__tile_overlayer_lowered;
	s7 =	simm.s32 $_tile_overlayer_lowered  }
0x9c: {  	s22 =	simm.s32 $0x1BFF;
	s21 =	sshll.u32 s7, $0x1;
	s4 =	sadd.s32 s5, s19  }
0x9d: {  	s8 =	simm.s32 $0x0;
	s20 =	sshll.u32 s6, $0x1;
	s6 =	sadd.s32 s21, s4  }
0x9e: {  	[timem:s8], [sflag:s22] =	dma.local [hbm:s6], s20  }
0x9f: {  	_ =	swait.ge [sflag:s22], s20  }
0xa0: {  	s5 =	ssub.s32 $0x0, s20;
	[sflag:s22] =	ssyncset.done $0x0  }
0xa1: {  	[sflag:s22] =	ssyncadd.s32 s5;
	_ =	sdelay $0x1  }
0xa2: {  	s23 =	simm.s32 $0x1B8B  }
0xa3: {  	_ =	swait.ge [sflag:s23], $0x1  }
0xa4: {  	[sflag:s23] =	ssyncset.done $0x0  }
0xa5: {  	s25 =	simm.s32 $0x1B8E;
	s24 =	sld [smem:$0x3FFE];
	[sflag:s23] =	ssyncadd.s32 $0xFFFFFFFF  }
0xa6: {  	s26 =	simm.s32 $execute0_lowered;
	[smem:$0x3FD2] =	sst s25  }
0xa7: {  	s6 =	sshll.u32 s26, $0x1;
	_ =	strace $0x80000046;
	[dreg:$0x1] =	wrdreg $0xFFFFFFFF  }
0xa8: {  	s28 =	simm.s32 $_size_execute0_lowered;
	s4 =	sadd.s32 s4, s6;
	[dreg:$0x0] =	wrdreg $0x0  }
0xa9: {  	s6 =	sshll.u32 s28, $0x1;
	[dreg:$0x2] =	wrdreg s4  }
0xaa: {  	[dreg:$0x3] =	wrdreg s6  }
0xab: {  	[dreg:$0x4] =	wrdreg $0xC0  }
0xac: {  	_ =	task [dreg:s8], $0x5FFFF  }
0xad: {  	[dreg:$0x1] =	wrdreg $0xFFFFFFFF  }
0xae: {  	[dreg:$0x0] =	wrdreg $0x60  }
0xaf: {  	[dreg:$0x2] =	wrdreg s2  }
0xb0: {  	[dreg:$0x3] =	wrdreg s24  }
0xb1: {  	[dreg:$0x4] =	wrdreg s18  }
0xb2: {  	[dreg:$0x5] =	wrdreg $0x9  }
0xb3: {  	_ =	task.clear_ibuf [dreg:s8], $0x6FFFF;
	_ =	strace $0x90000046  }
0xb4: {  	s29 =	simm.s32 $0x9;
	_ =	strace $0x80000048  }
0xb5: {  	_ =	swait.ge [sflag:s29], $0x1  }
0xb6: {  	[sflag:s29] =	ssyncadd.s32 $0xFFFFFFFF  }
0xb7: {  	_ =	strace $0x90000048  }
0xb8: {  	_ =	sfence  }
0xb9: {  	s30 =	sld [smem:$0x0];
	_ =	sdelay $0x2  }
0xba: {  	s31 =	sshll.u32 s1, $0xD;
	s1 =	sshrl.u32 s1, $0x2  }
0xbb: {  	s3 =	sand.u32 $0x4000, s31;
	s1 =	sadd.s32 s1, s30  }
0xbc: {  	s0 =	sor.u32 s3, s0;
	s1 =	sshll.u32 s1, $0x11  }
0xbd: {  	s0 =	sor.u32 s1, s0  }
0xbe: {  	s0 =	sadd.s32 $0x8F2B, s0  }
0xbf: {  	[sflag:s0] =	ssyncadd.remote.s32 $0x1  }
0xc0: {  	_ =	sfence.sel $0xFFFF  }
0xc1: {  	[dreg:$0x0] =	wrdreg $0xFFFFFFFF;
	(pc) =	sbr.abs _section_cstart, $3  }
0xc2: {  	[dreg:$0x1] =	wrdreg $0xFFFFFFFF  }
0xc3: {  	_ =	task.clear_ibuf [dreg:s8], $0x2FFFF;
	_ =	strace $0x9FFFFFFF  }
0xc4: {  	(tm) =	ssettm $0x7FFFFFFF  }
0xc5: {  	_ =	shalt  }
tec
execute0_lowered:
.L_overlay_start_1:
0x0: {  	(tag) =	ssettag $0x1  }
0x1: {  	s3 =	rddreg [dreg:$0x0]  }
0x2: {  	s4 =	rddreg [dreg:$0x1]  }
0x3: {  	s5 =	rddreg [dreg:$0x2];
	s2 =	simm.s32 $0x0;
	s0 =	srdreg.scid  }
0x4: {  	s1 =	stileid.u32;
	[smem:$0x7FF] =	sst s2  }
0x5: {  	s0 =	sand.u32 $0x1, s0;
	s6 =	sadd.s32 $0xA00, s4;
	s7 =	sshll.u32 s1, $0xA  }
0x6: {  	s18 =	sadd.s32 $0x600, s4;
	_ =	strace $0x80000047;
	[dreg:$0x4] =	wrdreg s6  }
0x7: {  	s4 =	sadd.s32 $0x400, s4;
	s8 =	sshll.u32 s0, $0x9;
	[dreg:$0x5] =	wrdreg s18  }
0x8: {  	s21 =	simm.s32 $0xD100;
	[dreg:$0x6] =	wrdreg s4;
	s7 =	sor.u32 s8, s7  }
0x9: {  	s6 =	simm.s32 $0xD000;
	s22 =	rddreg [dreg:$0x4];
	s19 =	sshrl.u32 s7, $0x3  }
0xa: {  	[tilespmem:s6], [sflag:$0x1] =	stream.linear.gather [hbm4b:s22+s2], $0x80, $0x38;
	[tilespmem:$0xD380] =	vst v63  }
0xb: {  	[dreg:$0x8] =	wrdreg s21;
	s20 =	sadd.s32 s5, s19;
	s5 =	sadd.s32 s3, s7  }
0xc: {  	[dreg:$0x7] =	wrdreg s20;
	s7 =	sadd.s32 $0x4000, s5  }
0xd: {  	s3 =	simm.s32 $0x1;
	[dreg:$0x9] =	wrdreg s7  }
0xe: {  	_ =	swait.ge [sflag:s3], $0x80  }
0xf: {  	[sflag:s3] =	ssyncset.done $0x0  }
0x10: {  	s7 =	simm.s32 $0xD080;
	s23 =	rddreg [dreg:$0x5];
	[sflag:s3] =	ssyncadd.s32 $0xFFFFFF80  }
0x11: {  	[tilespmem:s7], [sflag:$0x1] =	stream.linear.gather [hbm4b:s23+s2], $0x80, $0x38;
	[tilespmem:$0xD380] =	vst v63  }
0x12: {  	_ =	swait.ge [sflag:s3], $0x80  }
0x13: {  	s24 =	rddreg [dreg:$0x6];
	[sflag:s3] =	ssyncset.done $0x0  }
0x14: {  	s25 =	rddreg [dreg:$0x8];
	[sflag:s3] =	ssyncadd.s32 $0xFFFFFF80  }
0x15: {  	[tilespmem:s25], [sflag:$0x1] =	stream.linear.gather [hbm4b:s24+s2], $0x80, $0x38;
	[tilespmem:$0xD380] =	vst v63  }
0x16: {  	_ =	swait.ge [sflag:s3], $0x80  }
0x17: {  	[sflag:s3] =	ssyncset.done $0x0  }
0x18: {  	[sflag:s3] =	ssyncadd.s32 $0xFFFFFF80  }
0x19: {  	[tilespmem:s2], [sflag:$0x1] =	stream.linear.gather [hbm4b:s5+s2], $0x400, $0x38;
	[tilespmem:$0xD380] =	vst v63  }
0x1a: {  	s8 =	simm.s32 $0x1000;
	s26 =	rddreg [dreg:$0x9]  }
0x1b: {  	[tilespmem:s8], [sflag:$0x1] =	stream.linear.gather [hbm4b:s26+s2], $0x400, $0x38;
	[tilespmem:$0xD380] =	vst v63  }
0x1c: {  	s10 =	simm.s32 $0x2000;
	s9 =	sadd.s32 $0x8000, s5  }
0x1d: {  	[tilespmem:s10], [sflag:$0x1] =	stream.linear.gather [hbm4b:s9+s2], $0x400, $0x38;
	[tilespmem:$0xD380] =	vst v63  }
0x1e: {  	s12 =	simm.s32 $0x3000;
	s11 =	sadd.s32 $0xC000, s5  }
0x1f: {  	[tilespmem:s12], [sflag:$0x1] =	stream.linear.gather [hbm4b:s11+s2], $0x400, $0x38;
	[tilespmem:$0xD380] =	vst v63  }
0x20: {  	s14 =	simm.s32 $0x4000;
	s13 =	sadd.s32 $0x10000, s5  }
0x21: {  	[tilespmem:s14], [sflag:$0x1] =	stream.linear.gather [hbm4b:s13+s2], $0x400, $0x38;
	[tilespmem:$0xD380] =	vst v63  }
0x22: {  	s16 =	simm.s32 $0x5000;
	s15 =	sadd.s32 $0x14000, s5  }
0x23: {  	[tilespmem:s16], [sflag:$0x1] =	stream.linear.gather [hbm4b:s15+s2], $0x400, $0x38;
	[tilespmem:$0xD380] =	vst v63  }
0x24: {  	s18 =	simm.s32 $0x6000;
	s17 =	sadd.s32 $0x18000, s5  }
0x25: {  	[tilespmem:s18], [sflag:$0x1] =	stream.linear.gather [hbm4b:s17+s2], $0x400, $0x38;
	[tilespmem:$0xD380] =	vst v63  }
0x26: {  	s19 =	sadd.s32 $0x1C000, s5;
	s20 =	simm.s32 $0x7000  }
0x27: {  	[tilespmem:s20], [sflag:$0x1] =	stream.linear.gather [hbm4b:s19+s2], $0x400, $0x38;
	[tilespmem:$0xD380] =	vst v63  }
0x28: {  	s22 =	simm.s32 $0x8000;
	s21 =	sadd.s32 $0x20000, s5  }
0x29: {  	[tilespmem:s22], [sflag:$0x1] =	stream.linear.gather [hbm4b:s21+s2], $0x400, $0x38;
	[tilespmem:$0xD380] =	vst v63  }
0x2a: {  	s23 =	simm.s32 $0x9000;
	s24 =	sadd.s32 $0x24000, s5  }
0x2b: {  	[tilespmem:s23], [sflag:$0x1] =	stream.linear.gather [hbm4b:s24+s2], $0x400, $0x38;
	[tilespmem:$0xD380] =	vst v63  }
0x2c: {  	s25 =	simm.s32 $0xA000;
	s26 =	sadd.s32 $0x28000, s5  }
0x2d: {  	[tilespmem:s25], [sflag:$0x1] =	stream.linear.gather [hbm4b:s26+s2], $0x400, $0x38;
	[tilespmem:$0xD380] =	vst v63  }
0x2e: {  	s28 =	simm.s32 $0xB000;
	s29 =	sadd.s32 $0x2C000, s5  }
0x2f: {  	[tilespmem:s28], [sflag:$0x1] =	stream.linear.gather [hbm4b:s29+s2], $0x400, $0x38;
	[tilespmem:$0xD380] =	vst v63  }
0x30: {  	s30 =	simm.s32 $0xC000;
	s31 =	sadd.s32 $0x30000, s5  }
0x31: {  	[tilespmem:s30], [sflag:$0x1] =	stream.linear.gather [hbm4b:s31+s2], $0x400, $0x38;
	[tilespmem:$0xD380] =	vst v63  }
0x32: {  	_ =	swait.ge [sflag:s3], $0x3400  }
0x33: {  	[sflag:s3] =	ssyncset.done $0x0  }
0x34: {  	[sflag:s3] =	ssyncadd.s32 $0xFFFFCC00  }
0x35: {  	v0 =	vld.msk [tilespmem:s6+$0x0], $0xffff  }
0x36: {  	v2 =	vld.msk [tilespmem:s7+$0x0], $0xffff  }
0x37: {  	v1 =	vld [tilespmem:$0x470]  }
0x38: {  	v3 =	vld [tilespmem:$0xC70]  }
0x39: {  	v4 =	vld [tilespmem:$0x20]  }
0x3a: {  	v6 =	vld [tilespmem:$0x30]  }
0x3b: {  	v7 =	vld [tilespmem:$0x10]  }
0x3c: {  	v5 =	vld [tilespmem:$0x50]  }
0x3d: {  	s0 =	ssub.s32 $0x2, s0;
	v10 =	vld [tilespmem:$0xC60]  }
0x3e: {  	s1 =	sshrl.u32 s0, $0x1;
	v13 =	vld [tilespmem:$0x70];
	v8 =	vcvt.s32.f32 v1;
	v17 =	vcvt.s32.f32 v3  }
0x3f: {  	s0 =	ssub.s32 s0, s1;
	v1 =	vld [tilespmem:$0x0];
	v16 =	vcvt.s32.f32 v4;
	v15 =	vcvt.s32.f32 v6  }
0x40: {  	s0 =	smax.u32 s0, $0x1;
	v19 =	vld [tilespmem:$0x400];
	v6 =	vcvt.s32.f32 v7;
	v9 =	vmul.f32 v8, v2  }
0x41: {  	p0 =	sne.s32 s0, $0x1;
	v14 =	vld [tilespmem:$0x410];
	v4 =	vmul.f32 v17, v2  }
.Ltmp0:
0x42: {  	v11 =	vld [tilespmem:$0x420];
	v22 =	vmul.f32 v6, v2;
	v12 =	vmul.f32 v16, v2;
	v7 =	vadd.f32 v9, v0;
	(pc) =	sbr.rel @!p0 .LBB2_2-.Ltmp0, $4  }
0x43: {  	v18 =	vld [tilespmem:$0x40];
	v9 =	vmul.f32 v15, v2;
	v23 =	vadd.f32 v4, v0;
	v4 =	vcvt.s32.f32 v10  }
0x44: {  	v21 =	vadd.f32 v12, v0;
	v12 =	vcvt.s32.f32 v5;
	v3 =	vcvt.s32.f32 v1;
	v1 =	vld [tilespmem:$0xD100]  }
0x45: {  	v20 =	vadd.f32 v9, v0;
	v9 =	vmul.f32 v8, v7;
	v8 =	vld [tilespmem:$0x60];
	v7 =	vmul.f32 v17, v23  }
0x46: {  	s0 =	sadd.s32 $0xFFFFFFFF, s0;
	v10 =	vadd.f32 v22, v0;
	v17 =	vcvt.s32.f32 v19;
	v19 =	vld [tilespmem:$0x430];
	v5 =	vmul.f32 v3, v2  }
.LBB2_1:
0x47: {  	v22 =	vld [tilespmem:$0x450];
	v16 =	vmul.f32 v16, v21;
	v15 =	vmul.f32 v15, v20  }
0x48: {  	v25 =	vld [tilespmem:$0x800];
	v21 =	vmul.f32 v17, v2;
	v26 =	vmul.f32 v4, v2;
	v5 =	vadd.f32 v5, v0  }
0x49: {  	v29 =	vld [tilespmem:$0x830];
	v27 =	vmul.f32 v12, v2;
	v6 =	vmul.f32 v6, v10  }
0x4a: {  	v56 =	vld [tilespmem:$0x850];
	v3 =	vmul.f32 v3, v5;
	v18 =	vcvt.s32.f32 v18  }
0x4b: {  	v33 =	vld [tilespmem:$0xC10];
	v21 =	vadd.f32 v21, v0;
	v13 =	vcvt.s32.f32 v13;
	v14 =	vcvt.s32.f32 v14  }
0x4c: {  	v32 =	vld [tilespmem:$0xC00];
	v27 =	vadd.f32 v27, v0;
	v19 =	vcvt.s32.f32 v19;
	v11 =	vcvt.s32.f32 v11  }
0x4d: {  	v8 =	vcvt.s32.f32 v8;
	v17 =	vmul.f32 v17, v21  }
0x4e: {  	v20 =	vld [tilespmem:$0x440];
	v22 =	vcvt.s32.f32 v22;
	v12 =	vmul.f32 v12, v27  }
0x4f: {  	v55 =	vld [tilespmem:$0x820];
	v16 =	vadd.f32 v16, v1;
	v25 =	vcvt.s32.f32 v25;
	v29 =	vcvt.s32.f32 v29  }
0x50: {  	v15 =	vadd.f32 v15, v1;
	v27 =	vcvt.s32.f32 v56;
	v33 =	vcvt.s32.f32 v33  }
0x51: {  	v23 =	vld [tilespmem:$0x460];
	v7 =	vadd.f32 v7, v1;
	v63 =	vcvt.s32.f32 v32;
	v24 =	vmul.f32 v18, v2  }
0x52: {  	v31 =	vld [tilespmem:$0x870];
	v21 =	vmul.f32 v14, v2;
	v30 =	vmul.f32 v19, v2;
	v17 =	vadd.f32 v17, v1  }
0x53: {  	v28 =	vld [tilespmem:$0x810];
	[tilespmem:$0xD1A0] =	vst v16;
	v20 =	vcvt.s32.f32 v20;
	v12 =	vadd.f32 v12, v1;
	v59 =	vmul.f32 v29, v2  }
0x54: {  	v58 =	vld [tilespmem:$0xC40];
	v62 =	vmul.f32 v33, v2;
	v16 =	vadd.f32 v24, v0;
	v24 =	vcvt.s32.f32 v55;
	[tilespmem:$0xD200] =	vst v17  }
0x55: {  	v57 =	vld [tilespmem:$0x860];
	v17 =	vadd.f32 v6, v1;
	v6 =	vmul.f32 v13, v2;
	[tilespmem:$0xD1D0] =	vst v12;
	v12 =	vmul.f32 v8, v2  }
0x56: {  	v16 =	vmul.f32 v18, v16;
	v18 =	vadd.f32 v21, v0;
	v21 =	vcvt.s32.f32 v23  }
0x57: {  	[tilespmem:$0xD1B0] =	vst v15;
	v60 =	vmul.f32 v24, v2;
	v15 =	vadd.f32 v6, v0;
	v6 =	vcvt.s32.f32 v31  }
0x58: {  	[tilespmem:$0xD190] =	vst v17;
	v17 =	vadd.f32 v26, v0;
	v5 =	vadd.f32 v12, v0;
	v14 =	vmul.f32 v14, v18  }
0x59: {  	v12 =	vcvt.s32.f32 v58;
	v18 =	vadd.f32 v9, v1;
	v9 =	vcvt.s32.f32 v28  }
0x5a: {  	v28 =	vcvt.s32.f32 v57;
	v4 =	vmul.f32 v4, v17;
	v10 =	vadd.f32 v14, v1  }
0x5b: {  	v34 =	vld [tilespmem:$0xC20];
	v16 =	vadd.f32 v16, v1;
	v5 =	vmul.f32 v8, v5;
	v17 =	vmul.f32 v25, v2  }
0x5c: {  	v36 =	vld [tilespmem:$0xC50];
	v3 =	vadd.f32 v3, v1;
	v31 =	vmul.f32 v12, v2;
	[tilespmem:$0xD210] =	vst v10;
	v10 =	vmul.f32 v11, v2  }
0x5d: {  	v61 =	vmul.f32 v6, v2;
	v14 =	vmul.f32 v22, v2;
	[tilespmem:$0xD1C0] =	vst v16;
	v16 =	vadd.f32 v30, v0  }
0x5e: {  	[tilespmem:$0xD270] =	vst v18;
	v18 =	vmul.f32 v21, v2;
	v30 =	vadd.f32 v59, v0;
	v10 =	vadd.f32 v10, v0  }
0x5f: {  	[tilespmem:$0xD370] =	vst v7;
	v4 =	vadd.f32 v4, v1;
	v5 =	vadd.f32 v5, v1;
	v7 =	vmul.f32 v19, v16  }
0x60: {  	v23 =	vld [tilespmem:$0x840];
	v18 =	vadd.f32 v18, v0;
	v16 =	vcvt.s32.f32 v34;
	v10 =	vmul.f32 v11, v10  }
0x61: {  	v19 =	vcvt.s32.f32 v36;
	[tilespmem:$0xD360] =	vst v4;
	v4 =	vadd.f32 v17, v0;
	v17 =	vmul.f32 v27, v2  }
0x62: {  	[tilespmem:$0xD1E0] =	vst v5;
	v5 =	vmul.f32 v20, v2;
	v8 =	vmul.f32 v16, v2;
	v10 =	vadd.f32 v10, v1  }
0x63: {  	v7 =	vadd.f32 v7, v1;
	v18 =	vmul.f32 v21, v18;
	v21 =	vadd.f32 v62, v0  }
0x64: {  	v35 =	vld [tilespmem:$0xC30];
	v17 =	vadd.f32 v17, v0;
	[tilespmem:$0xD220] =	vst v10;
	v10 =	vmul.f32 v13, v15;
	v13 =	vadd.f32 v14, v0  }
0x65: {  	v5 =	vadd.f32 v5, v0;
	v11 =	vcvt.s32.f32 v23;
	v14 =	vmul.f32 v29, v30  }
0x66: {  	[tilespmem:$0xD180] =	vst v3;
	v23 =	vmul.f32 v19, v2;
	v18 =	vadd.f32 v18, v1;
	v3 =	vmul.f32 v22, v13  }
0x67: {  	[tilespmem:$0xD230] =	vst v7;
	v21 =	vmul.f32 v33, v21;
	v13 =	vmul.f32 v9, v2;
	v7 =	vadd.f32 v14, v1  }
0x68: {  	v8 =	vadd.f32 v8, v0;
	v15 =	vmul.f32 v11, v2;
	v3 =	vadd.f32 v3, v1  }
0x69: {  	v14 =	vcvt.s32.f32 v35;
	[tilespmem:$0xD2B0] =	vst v7;
	v7 =	vadd.f32 v13, v0;
	v13 =	vmul.f32 v27, v17  }
0x6a: {  	v10 =	vadd.f32 v10, v1;
	v17 =	vmul.f32 v28, v2;
	[tilespmem:$0xD250] =	vst v3;
	v3 =	vmul.f32 v25, v4  }
0x6b: {  	[tilespmem:$0xD260] =	vst v18;
	v4 =	vadd.f32 v15, v0;
	v7 =	vmul.f32 v9, v7;
	v9 =	vadd.f32 v13, v1  }
0x6c: {  	[tilespmem:$0xD1F0] =	vst v10;
	v15 =	vmul.f32 v14, v2;
	v17 =	vadd.f32 v17, v0;
	v3 =	vadd.f32 v3, v1  }
0x6d: {  	v2 =	vmul.f32 v63, v2;
	v4 =	vmul.f32 v11, v4;
	v7 =	vadd.f32 v7, v1;
	[tilespmem:$0xD2D0] =	vst v9  }
0x6e: {  	v5 =	vmul.f32 v20, v5;
	v22 =	vadd.f32 v60, v0;
	v11 =	vadd.f32 v21, v1;
	[tilespmem:$0xD280] =	vst v3  }
0x6f: {  	v13 =	vmul.f32 v28, v17;
	v2 =	vadd.f32 v2, v0;
	v4 =	vadd.f32 v4, v1;
	[tilespmem:$0xD290] =	vst v7  }
0x70: {  	v23 =	vadd.f32 v23, v0;
	v10 =	vmul.f32 v24, v22;
	v3 =	vadd.f32 v5, v1;
	[tilespmem:$0xD310] =	vst v11  }
0x71: {  	v5 =	vadd.f32 v13, v1;
	v2 =	vmul.f32 v63, v2;
	v13 =	vadd.f32 v31, v0;
	[tilespmem:$0xD2C0] =	vst v4  }
0x72: {  	v17 =	vmul.f32 v19, v23;
	v7 =	vadd.f32 v10, v1;
	v4 =	vmul.f32 v16, v8;
	[tilespmem:$0xD240] =	vst v3  }
0x73: {  	v8 =	vadd.f32 v15, v0;
	v2 =	vadd.f32 v2, v1;
	[tilespmem:$0xD2E0] =	vst v5;
	v5 =	vmul.f32 v12, v13  }
0x74: {  	v10 =	vadd.f32 v17, v1;
	v0 =	vadd.f32 v61, v0;
	[tilespmem:$0xD2A0] =	vst v7  }
0x75: {  	v3 =	vadd.f32 v4, v1;
	v4 =	vmul.f32 v14, v8;
	[tilespmem:$0xD300] =	vst v2;
	v2 =	vadd.f32 v5, v1  }
0x76: {  	[tilespmem:$0xD350] =	vst v10;
	v0 =	vmul.f32 v6, v0  }
0x77: {  	v4 =	vadd.f32 v4, v1;
	[tilespmem:$0xD340] =	vst v2  }
0x78: {  	v0 =	vadd.f32 v0, v1;
	[tilespmem:$0xD320] =	vst v3  }
0x79: {  	[tilespmem:$0xD330] =	vst v4  }
0x7a: {  	s1 =	rddreg [dreg:$0x7];
	s4 =	simm.s32 $0xD180;
	[tilespmem:$0xD2F0] =	vst v0  }
0x7b: {  	[hbm4b:s1+s2] =	stream.linear.scatter [tilespmem:s4], [sflag:$0x1], $0x200, $0x38;
	[tilespmem:$0xD380] =	vst v63  }
0x7c: {  	_ =	swait.ge [sflag:s3], $0x200  }
0x7d: {  	[sflag:s3] =	ssyncset.done $0x0  }
0x7e: {  	s4 =	rddreg [dreg:$0x4];
	[sflag:s3] =	ssyncadd.s32 $0xFFFFFE00  }
0x7f: {  	[tilespmem:s6], [sflag:$0x1] =	stream.linear.gather [hbm4b:s4+s2], $0x80, $0x38;
	[tilespmem:$0xD380] =	vst v63  }
0x80: {  	_ =	swait.ge [sflag:s3], $0x80  }
0x81: {  	[sflag:s3] =	ssyncset.done $0x0  }
0x82: {  	s4 =	rddreg [dreg:$0x5];
	[sflag:s3] =	ssyncadd.s32 $0xFFFFFF80  }
0x83: {  	[tilespmem:s7], [sflag:$0x1] =	stream.linear.gather [hbm4b:s4+s2], $0x80, $0x38;
	[tilespmem:$0xD380] =	vst v63  }
0x84: {  	_ =	swait.ge [sflag:s3], $0x80  }
0x85: {  	s1 =	rddreg [dreg:$0x6];
	[sflag:s3] =	ssyncset.done $0x0  }
0x86: {  	s4 =	rddreg [dreg:$0x8];
	[sflag:s3] =	ssyncadd.s32 $0xFFFFFF80  }
0x87: {  	[tilespmem:s4], [sflag:$0x1] =	stream.linear.gather [hbm4b:s1+s2], $0x80, $0x38;
	[tilespmem:$0xD380] =	vst v63  }
0x88: {  	_ =	swait.ge [sflag:s3], $0x80  }
0x89: {  	[sflag:s3] =	ssyncset.done $0x0  }
0x8a: {  	[sflag:s3] =	ssyncadd.s32 $0xFFFFFF80  }
0x8b: {  	[tilespmem:s2], [sflag:$0x1] =	stream.linear.gather [hbm4b:s5+s2], $0x400, $0x38;
	[tilespmem:$0xD380] =	vst v63  }
0x8c: {  	s4 =	rddreg [dreg:$0x9]  }
0x8d: {  	[tilespmem:s8], [sflag:$0x1] =	stream.linear.gather [hbm4b:s4+s2], $0x400, $0x38;
	[tilespmem:$0xD380] =	vst v63  }
0x8e: {  	_ = 	snop  }
0x8f: {  	[tilespmem:s10], [sflag:$0x1] =	stream.linear.gather [hbm4b:s9+s2], $0x400, $0x38;
	[tilespmem:$0xD380] =	vst v63  }
0x90: {  	_ = 	snop  }
0x91: {  	[tilespmem:s12], [sflag:$0x1] =	stream.linear.gather [hbm4b:s11+s2], $0x400, $0x38;
	[tilespmem:$0xD380] =	vst v63  }
0x92: {  	_ = 	snop  }
0x93: {  	[tilespmem:s14], [sflag:$0x1] =	stream.linear.gather [hbm4b:s13+s2], $0x400, $0x38;
	[tilespmem:$0xD380] =	vst v63  }
0x94: {  	_ = 	snop  }
0x95: {  	[tilespmem:s16], [sflag:$0x1] =	stream.linear.gather [hbm4b:s15+s2], $0x400, $0x38;
	[tilespmem:$0xD380] =	vst v63  }
0x96: {  	_ = 	snop  }
0x97: {  	[tilespmem:s18], [sflag:$0x1] =	stream.linear.gather [hbm4b:s17+s2], $0x400, $0x38;
	[tilespmem:$0xD380] =	vst v63  }
0x98: {  	_ = 	snop  }
0x99: {  	[tilespmem:s20], [sflag:$0x1] =	stream.linear.gather [hbm4b:s19+s2], $0x400, $0x38;
	[tilespmem:$0xD380] =	vst v63  }
0x9a: {  	_ = 	snop  }
0x9b: {  	[tilespmem:s22], [sflag:$0x1] =	stream.linear.gather [hbm4b:s21+s2], $0x400, $0x38;
	[tilespmem:$0xD380] =	vst v63  }
0x9c: {  	_ = 	snop  }
0x9d: {  	[tilespmem:s23], [sflag:$0x1] =	stream.linear.gather [hbm4b:s24+s2], $0x400, $0x38;
	[tilespmem:$0xD380] =	vst v63  }
0x9e: {  	_ = 	snop  }
0x9f: {  	[tilespmem:s25], [sflag:$0x1] =	stream.linear.gather [hbm4b:s26+s2], $0x400, $0x38;
	[tilespmem:$0xD380] =	vst v63  }
0xa0: {  	_ = 	snop  }
0xa1: {  	[tilespmem:s28], [sflag:$0x1] =	stream.linear.gather [hbm4b:s29+s2], $0x400, $0x38;
	[tilespmem:$0xD380] =	vst v63  }
0xa2: {  	_ = 	snop  }
0xa3: {  	[tilespmem:s30], [sflag:$0x1] =	stream.linear.gather [hbm4b:s31+s2], $0x400, $0x38;
	[tilespmem:$0xD380] =	vst v63  }
0xa4: {  	_ =	swait.ge [sflag:s3], $0x3400  }
0xa5: {  	[sflag:s3] =	ssyncset.done $0x0  }
0xa6: {  	[sflag:s3] =	ssyncadd.s32 $0xFFFFCC00  }
0xa7: {  	v0 =	vld.msk [tilespmem:s6+$0x0], $0xffff  }
0xa8: {  	v2 =	vld.msk [tilespmem:s7+$0x0], $0xffff  }
0xa9: {  	v1 =	vld [tilespmem:$0x470]  }
0xaa: {  	v3 =	vld [tilespmem:$0xC70]  }
0xab: {  	v4 =	vld [tilespmem:$0x20]  }
0xac: {  	v6 =	vld [tilespmem:$0x30]  }
0xad: {  	v7 =	vld [tilespmem:$0x10]  }
0xae: {  	v5 =	vld [tilespmem:$0x50]  }
0xaf: {  	v10 =	vld [tilespmem:$0xC60]  }
0xb0: {  	v13 =	vld [tilespmem:$0x70];
	v8 =	vcvt.s32.f32 v1;
	v17 =	vcvt.s32.f32 v3  }
0xb1: {  	v1 =	vld [tilespmem:$0x0];
	v16 =	vcvt.s32.f32 v4;
	v15 =	vcvt.s32.f32 v6  }
0xb2: {  	v19 =	vld [tilespmem:$0x400];
	v6 =	vcvt.s32.f32 v7;
	v9 =	vmul.f32 v8, v2  }
0xb3: {  	p0 =	sne.s32 s0, $0x1;
	v14 =	vld [tilespmem:$0x410];
	v7 =	vmul.f32 v17, v2;
	v12 =	vmul.f32 v16, v2  }
.Ltmp1:
0xb4: {  	v11 =	vld [tilespmem:$0x420];
	v22 =	vmul.f32 v6, v2;
	v4 =	vadd.f32 v9, v0;
	v9 =	vmul.f32 v15, v2;
	(pc) =	sbr.rel @p0 .LBB2_1-.Ltmp1, $4  }
0xb5: {  	v18 =	vld [tilespmem:$0x40];
	v7 =	vadd.f32 v7, v0;
	v21 =	vadd.f32 v12, v0;
	v12 =	vcvt.s32.f32 v5  }
0xb6: {  	v3 =	vcvt.s32.f32 v1;
	v1 =	vld [tilespmem:$0xD100];
	v20 =	vadd.f32 v9, v0;
	v9 =	vmul.f32 v8, v4  }
0xb7: {  	v4 =	vcvt.s32.f32 v10;
	v8 =	vld [tilespmem:$0x60];
	v7 =	vmul.f32 v17, v7  }
0xb8: {  	s0 =	sadd.s32 $0xFFFFFFFF, s0;
	v10 =	vadd.f32 v22, v0;
	v17 =	vcvt.s32.f32 v19;
	v19 =	vld [tilespmem:$0x430];
	v5 =	vmul.f32 v3, v2  }
.LBB2_2:
0xb9: {  	v16 =	vmul.f32 v16, v21;
	v15 =	vmul.f32 v15, v20  }
0xba: {  	v38 =	vld [tilespmem:$0x450];
	v13 =	vcvt.s32.f32 v13;
	v14 =	vcvt.s32.f32 v14  }
0xbb: {  	v22 =	vld [tilespmem:$0x460];
	v25 =	vmul.f32 v4, v2;
	v26 =	vmul.f32 v12, v2  }
0xbc: {  	v24 =	vld [tilespmem:$0x800];
	v11 =	vcvt.s32.f32 v11;
	v18 =	vcvt.s32.f32 v18  }
0xbd: {  	v40 =	vld [tilespmem:$0x820];
	v37 =	vmul.f32 v17, v2;
	v6 =	vmul.f32 v6, v10;
	v5 =	vadd.f32 v5, v0  }
0xbe: {  	v42 =	vld [tilespmem:$0x830];
	v28 =	vmul.f32 v14, v2;
	v26 =	vadd.f32 v26, v0;
	v34 =	vmul.f32 v11, v2  }
0xbf: {  	v44 =	vld [tilespmem:$0x850];
	v35 =	vmul.f32 v13, v2;
	v25 =	vadd.f32 v25, v0;
	v23 =	vmul.f32 v18, v2  }
0xc0: {  	v30 =	vld [tilespmem:$0x870];
	v21 =	vadd.f32 v37, v0;
	v8 =	vcvt.s32.f32 v8;
	v3 =	vmul.f32 v3, v5  }
0xc1: {  	v33 =	vld [tilespmem:$0xC10];
	v19 =	vcvt.s32.f32 v19;
	v43 =	vmul.f32 v12, v26  }
0xc2: {  	v36 =	vld [tilespmem:$0xC20];
	v16 =	vadd.f32 v16, v1;
	v53 =	vmul.f32 v4, v25;
	v39 =	vmul.f32 v17, v21  }
0xc3: {  	v51 =	vld [tilespmem:$0x440];
	v15 =	vadd.f32 v15, v1;
	v20 =	vcvt.s32.f32 v38;
	v22 =	vcvt.s32.f32 v22  }
0xc4: {  	v9 =	vadd.f32 v9, v1;
	v24 =	vcvt.s32.f32 v24;
	v21 =	vcvt.s32.f32 v40  }
0xc5: {  	v60 =	vld [tilespmem:$0xC30];
	v41 =	vadd.f32 v28, v0;
	v28 =	vcvt.s32.f32 v42;
	v26 =	vcvt.s32.f32 v44  }
0xc6: {  	v63 =	vld [tilespmem:$0xC00];
	v7 =	vadd.f32 v7, v1;
	v30 =	vcvt.s32.f32 v30;
	v50 =	vmul.f32 v8, v2  }
0xc7: {  	v27 =	vld [tilespmem:$0x810];
	v34 =	vadd.f32 v34, v0;
	[tilespmem:$0xD1A0] =	vst v16;
	v16 =	vcvt.s32.f32 v33;
	v33 =	vcvt.s32.f32 v36  }
0xc8: {  	v45 =	vld [tilespmem:$0x860];
	v35 =	vadd.f32 v35, v0;
	[tilespmem:$0xD270] =	vst v9;
	v9 =	vcvt.s32.f32 v51;
	v14 =	vmul.f32 v14, v41  }
0xc9: {  	v23 =	vadd.f32 v23, v0;
	v29 =	vmul.f32 v19, v2;
	v11 =	vmul.f32 v11, v34  }
0xca: {  	v6 =	vadd.f32 v6, v1;
	v13 =	vmul.f32 v13, v35;
	v41 =	vcvt.s32.f32 v60  }
0xcb: {  	v47 =	vld [tilespmem:$0x840];
	v12 =	vadd.f32 v43, v1;
	v43 =	vcvt.s32.f32 v63;
	v18 =	vmul.f32 v18, v23  }
0xcc: {  	v37 =	vld [tilespmem:$0xC40];
	v3 =	vadd.f32 v3, v1;
	v23 =	vcvt.s32.f32 v27;
	v31 =	vmul.f32 v20, v2  }
0xcd: {  	v4 =	vadd.f32 v53, v1;
	v32 =	vmul.f32 v22, v2;
	v27 =	vcvt.s32.f32 v45  }
0xce: {  	v17 =	vadd.f32 v39, v1;
	v49 =	vmul.f32 v28, v2;
	v55 =	vmul.f32 v24, v2  }
0xcf: {  	[tilespmem:$0xD1B0] =	vst v15;
	v5 =	vadd.f32 v50, v0;
	v56 =	vmul.f32 v21, v2;
	v59 =	vmul.f32 v30, v2  }
0xd0: {  	[tilespmem:$0xD370] =	vst v7;
	v7 =	vmul.f32 v26, v2;
	v40 =	vmul.f32 v9, v2;
	v46 =	vadd.f32 v14, v1  }
0xd1: {  	[tilespmem:$0xD190] =	vst v6;
	v29 =	vadd.f32 v29, v0;
	v14 =	vcvt.s32.f32 v47;
	v36 =	vcvt.s32.f32 v37  }
0xd2: {  	v48 =	vld [tilespmem:$0xC50];
	[tilespmem:$0xD180] =	vst v3;
	v54 =	vadd.f32 v11, v1;
	v37 =	vmul.f32 v16, v2;
	v42 =	vadd.f32 v13, v1  }
0xd3: {  	[tilespmem:$0xD1D0] =	vst v12;
	v47 =	vmul.f32 v43, v2;
	v18 =	vadd.f32 v18, v1;
	v52 =	vadd.f32 v32, v0  }
0xd4: {  	[tilespmem:$0xD360] =	vst v4;
	v5 =	vmul.f32 v8, v5;
	v8 =	vmul.f32 v33, v2;
	v58 =	vadd.f32 v49, v0  }
0xd5: {  	[tilespmem:$0xD200] =	vst v17;
	v31 =	vadd.f32 v31, v0;
	v35 =	vadd.f32 v55, v0;
	v39 =	vmul.f32 v23, v2  }
0xd6: {  	v44 =	vmul.f32 v27, v2;
	v3 =	vadd.f32 v40, v0;
	v49 =	vmul.f32 v41, v2;
	[tilespmem:$0xD210] =	vst v46  }
0xd7: {  	v59 =	vadd.f32 v59, v0;
	v19 =	vmul.f32 v19, v29;
	v29 =	vcvt.s32.f32 v48;
	[tilespmem:$0xD220] =	vst v54  }
0xd8: {  	v57 =	vmul.f32 v36, v2;
	[tilespmem:$0xD1F0] =	vst v42;
	v5 =	vadd.f32 v5, v1;
	v20 =	vmul.f32 v20, v31  }
0xd9: {  	v62 =	vmul.f32 v14, v2;
	[tilespmem:$0xD1C0] =	vst v18;
	v61 =	vmul.f32 v28, v58;
	v38 =	vadd.f32 v19, v1  }
0xda: {  	v51 =	vadd.f32 v47, v0;
	v17 =	vmul.f32 v22, v52;
	v20 =	vadd.f32 v20, v1;
	[tilespmem:$0xD1E0] =	vst v5  }
0xdb: {  	v53 =	vadd.f32 v37, v0;
	v4 =	vmul.f32 v24, v35;
	v6 =	vadd.f32 v61, v1;
	[tilespmem:$0xD230] =	vst v38  }
0xdc: {  	v46 =	vadd.f32 v44, v0;
	v3 =	vmul.f32 v9, v3;
	v17 =	vadd.f32 v17, v1;
	[tilespmem:$0xD250] =	vst v20  }
0xdd: {  	v18 =	vadd.f32 v56, v0;
	v56 =	vmul.f32 v43, v51;
	v4 =	vadd.f32 v4, v1;
	[tilespmem:$0xD2B0] =	vst v6  }
0xde: {  	v15 =	vmul.f32 v29, v2;
	v50 =	vmul.f32 v27, v46;
	v3 =	vadd.f32 v3, v1;
	[tilespmem:$0xD260] =	vst v17  }
0xdf: {  	v12 =	vadd.f32 v62, v0;
	v54 =	vmul.f32 v21, v18;
	v9 =	vadd.f32 v56, v1;
	[tilespmem:$0xD280] =	vst v4  }
0xe0: {  	v19 =	vadd.f32 v39, v0;
	v5 =	vmul.f32 v30, v59;
	v55 =	vadd.f32 v50, v1;
	[tilespmem:$0xD240] =	vst v3  }
0xe1: {  	v2 =	vadd.f32 v49, v0;
	v45 =	vmul.f32 v14, v12;
	v11 =	vadd.f32 v54, v1;
	[tilespmem:$0xD300] =	vst v9  }
0xe2: {  	v8 =	vadd.f32 v8, v0;
	v48 =	vmul.f32 v23, v19;
	v63 =	vadd.f32 v5, v1;
	[tilespmem:$0xD2E0] =	vst v55  }
0xe3: {  	v61 =	vadd.f32 v7, v0;
	v2 =	vmul.f32 v41, v2;
	v6 =	vadd.f32 v45, v1;
	[tilespmem:$0xD2A0] =	vst v11  }
0xe4: {  	v57 =	vadd.f32 v57, v0;
	v4 =	vmul.f32 v16, v53;
	v52 =	vadd.f32 v48, v1;
	[tilespmem:$0xD2F0] =	vst v63  }
0xe5: {  	v58 =	vadd.f32 v15, v0;
	v0 =	vmul.f32 v26, v61;
	v2 =	vadd.f32 v2, v1;
	[tilespmem:$0xD2C0] =	vst v6  }
0xe6: {  	v60 =	vmul.f32 v36, v57;
	v4 =	vadd.f32 v4, v1;
	[tilespmem:$0xD290] =	vst v52  }
0xe7: {  	v3 =	vmul.f32 v29, v58;
	v0 =	vadd.f32 v0, v1;
	[tilespmem:$0xD330] =	vst v2  }
0xe8: {  	v62 =	vmul.f32 v33, v8;
	v6 =	vadd.f32 v60, v1;
	[tilespmem:$0xD310] =	vst v4  }
0xe9: {  	v3 =	vadd.f32 v3, v1;
	[tilespmem:$0xD2D0] =	vst v0  }
0xea: {  	v4 =	vadd.f32 v62, v1;
	[tilespmem:$0xD340] =	vst v6  }
0xeb: {  	[tilespmem:$0xD350] =	vst v3  }
0xec: {  	s0 =	rddreg [dreg:$0x7];
	s1 =	simm.s32 $0xD180;
	[tilespmem:$0xD320] =	vst v4  }
0xed: {  	[hbm4b:s0+s2] =	stream.linear.scatter [tilespmem:s1], [sflag:$0x1], $0x200, $0x38;
	[tilespmem:$0xD380] =	vst v63  }
0xee: {  	_ =	swait.ge [sflag:s3], $0x200  }
0xef: {  	[sflag:s3] =	ssyncset.done $0x0  }
0xf0: {  	[sflag:s3] =	ssyncadd.s32 $0xFFFFFE00  }
0xf1: {  	_ =	sfence.sel $0x180000  }
0xf2: {  	[bflag:$0x0] =	sbarrier.arrive $0xFFFF  }
0xf3: {  	_ =	strace $0x90000047  }
0xf4: {  	s31 =	stileid.u32;
	[bflag:$0x2] =	sbarrier.arrive $0xFFFF  }
0xf5: {  	p0 =	sne.s32 s31, $0x0;
	s0 =	rddreg [dreg:$0x3]  }
0xf6: {  	s0 =	sadd.s32 @!p0 $0x100000, s0  }
0xf7: {  	[sflag:s0] =	ssyncadd.tile.s32 @!p0 $0x1;
	_ =	shalt  }
.Lfunc_end2:
_tile_overlayer_lowered:
.L_overlay_start_2:
0xf8: {  	(tag) =	ssettag $0x2  }
0xf9: {  	s0 =	rddreg [dreg:$0x0];
	s2 =	stileid.u32  }
0xfa: {  	s1 =	rddreg [dreg:$0x1];
	p0 =	sne.s32 s2, $0x0  }
0xfb: {  	s3 =	rddreg [dreg:$0x2];
	[bflag:$0x3] =	sbarrier.arrive $0xFFFF;
	s2 =	simm.s32 @!p0 $0x1C01  }
0xfc: {  	[timem:s3], [sflag:s2] =	dma.local @!p0 [hbm:s0], s1  }
0xfd: {  	s0 =	simm.s32 @!p0 $0x1  }
0xfe: {  	_ =	swait.ge @!p0 [sflag:s0], s1  }
0xff: {  	s1 =	ssub.s32 @!p0 $0x0, s1;
	[sflag:s0] =	ssyncset.done @!p0 $0x0  }
0x100: {  	[sflag:s0] =	ssyncadd.s32 @!p0 s1  }
0x101: {  	[bflag:$0x3] =	sbarrier.arrive $0xFFFF  }
0x102: {  	_ =	shalt  }

</sc_bundles>
